<compile_context>
chip_gen: v7x
topology: tpu7x:2x2x1
jax: 0.10.2.dev20260603
libtpu: 0.0.44.dev20260713+nightly
codegen_flags: <defaults>
</compile_context>

<pallas_src>
import functools

import jax
import jax.numpy as jnp
from jax import lax
from jax.experimental import pallas as pl
from jax.experimental.pallas import tpu as pltpu
from jax.experimental.pallas import tpu_sc as plsc

_N = 10000
_E = 320000
_G = 64
_HID = 128
_VOCAB = 125
_NS = 16
_LANE = 128
_EPAD = 327680
_ROWS_B = _EPAD // _LANE
_RT = _ROWS_B // _NS
_NACC = 10240
_ZCH = _NACC // _NS
_DUMMY = _N
_DC = 2048
_ICH = 32

_MESH = plsc.VectorSubcoreMesh(core_axis_name="c", subcore_axis_name="s",
                               num_cores=2, num_subcores=_NS)



@functools.partial(
    pl.kernel,
    out_type=jax.ShapeDtypeStruct((2 * _NS * _NACC,), jnp.float32),
    mesh=_MESH,
    scratch_types=[
        pltpu.VMEM((_DC,), jnp.int32),
        pltpu.VMEM((_NACC,), jnp.float32),
    ],
    compiler_params=pltpu.CompilerParams(needs_layout_passes=False),
)
def _deg_kernel(dst_hbm, out_hbm, dst_v, cnt_v):
    c = lax.axis_index("c")
    s = lax.axis_index("s")
    zeros = jnp.zeros((16,), jnp.float32)
    ones = jnp.ones((16,), jnp.float32)

    def zbody(g, _):
        cnt_v[pl.ds(g * 16, 16)] = zeros
        return ()

    lax.fori_loop(0, _NACC // 16, zbody, ())
    base = c * _EPAD + s * (_EPAD // _NS)

    def outer(k, _):
        pltpu.sync_copy(dst_hbm.at[pl.ds(base + k * _DC, _DC)], dst_v)

        def body(g, _):
            ii = dst_v[pl.ds(g * 16, 16)]
            plsc.addupdate_scatter(cnt_v, [ii], ones)
            return ()

        lax.fori_loop(0, _DC // 16, body, ())
        return ()

    lax.fori_loop(0, _EPAD // _NS // _DC, outer, ())
    pltpu.sync_copy(cnt_v, out_hbm.at[pl.ds((c * _NS + s) * _NACC, _NACC)])


@functools.partial(
    pl.kernel,
    out_type=jax.ShapeDtypeStruct((2 * _NACC, _HID), jnp.float32),
    mesh=_MESH,
    scratch_types=[
        pltpu.VMEM((_ICH, _LANE), jnp.int32),
        pltpu.VMEM((_ICH, _LANE), jnp.int32),
        pltpu.VMEM((_LANE, _HID), jnp.float32),
        pltpu.VMEM((_LANE, _HID), jnp.float32),
        pltpu.VMEM_SHARED((_NACC, _HID), jnp.float32),
        pltpu.SemaphoreType.DMA,
        pltpu.SemaphoreType.DMA,
    ],
)
def _mp_kernel(h_hbm, src_hbm, dst_hbm, zeros_hbm, out_hbm,
               src_i, dst_i, rows0, rows1, acc_sh, gs0, gs1):
    c = lax.axis_index("c")
    s = lax.axis_index("s")
    pltpu.sync_copy(zeros_hbm.at[pl.ds(s * _ZCH, _ZCH)],
                    acc_sh.at[pl.ds(s * _ZCH, _ZCH)])
    rowbase = c * _ROWS_B + s * _RT
    plsc.subcore_barrier()
    rows = (rows0, rows1)
    gs = (gs0, gs1)

    def chunk(k, _):
        cb = rowbase + k * _ICH
        pltpu.sync_copy(src_hbm.at[pl.ds(cb, _ICH)], src_i)
        pltpu.sync_copy(dst_hbm.at[pl.ds(cb, _ICH)], dst_i)
        pltpu.async_copy(h_hbm.at[src_i.at[0]], rows0, gs0)
        pltpu.async_copy(h_hbm.at[src_i.at[1]], rows1, gs1)

        def inner(t, _):
            for b in range(2):
                j = 2 * t + b
                pltpu.make_async_copy(
                    h_hbm.at[pl.ds(0, _LANE)], rows[b], gs[b]).wait()
                pltpu.sync_copy(rows[b], acc_sh.at[dst_i.at[j]], add=True)

                @pl.when(j + 2 < _ICH)
                def _():
                    pltpu.async_copy(h_hbm.at[src_i.at[j + 2]], rows[b], gs[b])
            return ()

        lax.fori_loop(0, _ICH // 2, inner, ())
        return ()

    lax.fori_loop(0, _RT // _ICH, chunk, ())
    plsc.subcore_barrier()
    pltpu.sync_copy(acc_sh.at[pl.ds(s * _ZCH, _ZCH)],
                    out_hbm.at[pl.ds(c * _NACC + s * _ZCH, _ZCH)])



_B = 2000
_NB = _N // _B


def _dinv(dg_ref):
    dg = jnp.sum(dg_ref[0], axis=1, keepdims=True)
    return lax.rsqrt(dg + 1.0)


def _embed_body(aux_ref, dg_ref, wa_ref, wb_ref, out_ref):
    aux = aux_ref[0]
    lanes = lax.broadcasted_iota(jnp.int32, (1, _HID), 1).astype(jnp.float32)
    oh = jnp.where(aux[:, 0:1] == lanes, 1.0, 0.0)
    h = (jnp.dot(oh, wa_ref[0], preferred_element_type=jnp.float32)
         + jnp.dot(aux, wb_ref[0], preferred_element_type=jnp.float32))
    out_ref[0] = h * _dinv(dg_ref)


def _mid_body(aux_ref, dg_ref, acc_ref, hs_ref, w2_ref, b_ref, out_ref):
    del aux_ref
    dinv = _dinv(dg_ref)
    a = jnp.maximum(dinv * (acc_ref[0] + hs_ref[0]) + b_ref[0], 0.0)
    out_ref[0] = jnp.dot(a, w2_ref[0], preferred_element_type=jnp.float32) * dinv


def _final_body(aux_ref, dg_ref, acc_ref, hs_ref, b_ref, x_ref, psum_ref, pcnt_ref):
    i = pl.program_id(1)
    aux = aux_ref[0]
    dinv = _dinv(dg_ref)
    x = jnp.maximum(dinv * (acc_ref[0] + hs_ref[0]) + b_ref[0], 0.0)
    x_ref[0] = x
    gl = lax.broadcasted_iota(jnp.int32, (1, _G), 1).astype(jnp.float32)
    ohb = jnp.where(aux[:, 4:5] == gl, 1.0, 0.0)
    ps = lax.dot_general(ohb, x, (((0,), (0,)), ((), ())),
                         preferred_element_type=jnp.float32)
    cnt = jnp.sum(ohb, axis=0)[:, None]

    @pl.when(i == 0)
    def _():
        psum_ref[0] = jnp.zeros_like(psum_ref[0])
        pcnt_ref[0] = jnp.zeros_like(pcnt_ref[0])

    psum_ref[0] += ps
    pcnt_ref[0] += jnp.broadcast_to(cnt, (_G, _HID))


def _mlp_body(aux_ref, xm_ref, psum_ref, pcnt_ref, w1a_ref, w1b_ref,
              b1_ref, w2_ref, b2_ref, out_ref):
    aux = aux_ref[0]
    pooled = psum_ref[0] / jnp.maximum(pcnt_ref[0], 1.0)
    t = jnp.dot(pooled, w1b_ref[...], preferred_element_type=jnp.float32)
    gl = lax.broadcasted_iota(jnp.int32, (1, _G), 1).astype(jnp.float32)
    ohb = jnp.where(aux[:, 4:5] == gl, 1.0, 0.0)
    h = jnp.maximum(
        jnp.dot(xm_ref[0], w1a_ref[...], preferred_element_type=jnp.float32)
        + jnp.dot(ohb, t, preferred_element_type=jnp.float32) + b1_ref[...], 0.0)
    out_ref[...] = jnp.dot(h, w2_ref[...], preferred_element_type=jnp.float32) + b2_ref[...]


_dg_spec = pl.BlockSpec((1, _B, _NS), lambda c, i: (c, i, 0))

_embed_call = pl.pallas_call(
    _embed_body,
    grid=(2, _NB),
    in_specs=[
        pl.BlockSpec((1, _B, 8), lambda c, i: (c, i, 0)),
        _dg_spec,
        pl.BlockSpec((1, _HID, _HID), lambda c, i: (c, 0, 0)),
        pl.BlockSpec((1, 8, _HID), lambda c, i: (c, 0, 0)),
    ],
    out_specs=pl.BlockSpec((1, _B, _HID), lambda c, i: (c, i, 0)),
    out_shape=jax.ShapeDtypeStruct((2, _N, _HID), jnp.float32),
)

_mid_call = pl.pallas_call(
    _mid_body,
    grid=(2, _NB),
    in_specs=[
        pl.BlockSpec((1, _B, 8), lambda c, i: (c, i, 0)),
        _dg_spec,
        pl.BlockSpec((1, _B, _HID), lambda c, i: (c, i, 0)),
        pl.BlockSpec((1, _B, _HID), lambda c, i: (c, i, 0)),
        pl.BlockSpec((1, _HID, _HID), lambda c, i: (c, 0, 0)),
        pl.BlockSpec((1, 1, _HID), lambda c, i: (c, 0, 0)),
    ],
    out_specs=pl.BlockSpec((1, _B, _HID), lambda c, i: (c, i, 0)),
    out_shape=jax.ShapeDtypeStruct((2, _N, _HID), jnp.float32),
)

_final_call = pl.pallas_call(
    _final_body,
    grid=(2, _NB),
    in_specs=[
        pl.BlockSpec((1, _B, 8), lambda c, i: (c, i, 0)),
        _dg_spec,
        pl.BlockSpec((1, _B, _HID), lambda c, i: (c, i, 0)),
        pl.BlockSpec((1, _B, _HID), lambda c, i: (c, i, 0)),
        pl.BlockSpec((1, 1, _HID), lambda c, i: (c, 0, 0)),
    ],
    out_specs=[
        pl.BlockSpec((1, _B, _HID), lambda c, i: (c, i, 0)),
        pl.BlockSpec((1, _G, _HID), lambda c, i: (c, 0, 0)),
        pl.BlockSpec((1, _G, _HID), lambda c, i: (c, 0, 0)),
    ],
    out_shape=[
        jax.ShapeDtypeStruct((2, _N, _HID), jnp.float32),
        jax.ShapeDtypeStruct((2, _G, _HID), jnp.float32),
        jax.ShapeDtypeStruct((2, _G, _HID), jnp.float32),
    ],
)

_mlp_call = pl.pallas_call(
    _mlp_body,
    grid=(_NB,),
    in_specs=[
        pl.BlockSpec((1, _B, 8), lambda i: (1, i, 0)),
        pl.BlockSpec((1, _B, _HID), lambda i: (1, i, 0)),
        pl.BlockSpec((1, _G, _HID), lambda i: (0, 0, 0)),
        pl.BlockSpec((1, _G, _HID), lambda i: (0, 0, 0)),
        pl.BlockSpec((_HID, _HID), lambda i: (0, 0)),
        pl.BlockSpec((_HID, _HID), lambda i: (0, 0)),
        pl.BlockSpec((1, _HID), lambda i: (0, 0)),
        pl.BlockSpec((_HID, _HID), lambda i: (0, 0)),
        pl.BlockSpec((1, _HID), lambda i: (0, 0)),
    ],
    out_specs=pl.BlockSpec((_B, _HID), lambda i: (i, 0)),
    out_shape=jax.ShapeDtypeStruct((_N, _HID), jnp.float32),
)



def kernel(protein_residue_name, protein_pos, protein_edge_index, protein_batch,
           mm_residue_name, mm_pos, mm_edge_index, mm_batch,
           Wp1, bp1, Wp2, bp2, Wm1, bm1, Wm2, bm2, Wf1, bf1, Wf2, bf2):
    f32 = jnp.float32
    i32 = jnp.int32
    pad = _EPAD - _E

    src_flat = jnp.concatenate([
        protein_edge_index[0].astype(i32), jnp.zeros((pad,), i32),
        mm_edge_index[0].astype(i32) + _N, jnp.zeros((pad,), i32),
    ])
    dst_flat = jnp.concatenate([
        protein_edge_index[1].astype(i32), jnp.full((pad,), _DUMMY, i32),
        mm_edge_index[1].astype(i32), jnp.full((pad,), _DUMMY, i32),
    ])

    zeros128 = jnp.zeros((_NACC, _HID), f32)

    degp = _deg_kernel(dst_flat).reshape(2, _NS, _NACC).transpose(0, 2, 1)

    def mk_aux(ids, pos, batch):
        return jnp.concatenate([
            ids.astype(f32)[:, None], pos.astype(f32),
            batch.astype(f32)[:, None], jnp.zeros((_N, 3), f32)], axis=1)

    aux = jnp.stack([
        mk_aux(protein_residue_name, protein_pos, protein_batch),
        mk_aux(mm_residue_name, mm_pos, mm_batch),
    ])

    vmask = (jnp.arange(_HID) < _VOCAB)[:, None]
    Wa = jnp.stack([jnp.where(vmask, Wp1, 0.0), jnp.where(vmask, Wm1, 0.0)])
    Wb8 = (jnp.zeros((2, 8, _HID), f32)
           .at[0, 1:4].set(Wp1[_VOCAB:_VOCAB + 3])
           .at[1, 1:4].set(Wm1[_VOCAB:_VOCAB + 3]))
    W2 = jnp.stack([Wp2, Wm2])
    b1 = jnp.stack([bp1, bm1])[:, None, :]
    b2 = jnp.stack([bp2, bm2])[:, None, :]
    w1a, w1b = Wf1[:_HID], Wf1[_HID:]
    wf2p = jnp.zeros((_HID, _HID), f32).at[:, :3].set(Wf2)
    bf2p = jnp.zeros((1, _HID), f32).at[0, :3].set(bf2)

    src2d = src_flat.reshape(2 * _ROWS_B, _LANE)
    dst2d = dst_flat.reshape(2 * _ROWS_B, _LANE)

    h1s = _embed_call(aux, degp, Wa, Wb8)
    acc1 = _mp_kernel(h1s.reshape(2 * _N, _HID), src2d, dst2d, zeros128)
    h2s = _mid_call(aux, degp, acc1.reshape(2, _NACC, _HID), h1s, W2, b1)
    acc2 = _mp_kernel(h2s.reshape(2 * _N, _HID), src2d, dst2d, zeros128)
    x2, psum, pcnt = _final_call(aux, degp, acc2.reshape(2, _NACC, _HID), h2s, b2)
    out = _mlp_call(aux, x2, psum, pcnt, w1a, w1b,
                    bf1[None, :], wf2p, bf2p)
    return out[:, :3]

# --- scband reference (transcript-rebuilt; emitter-appended) ---
"""Pipeline reference for scband-gnnpolicy-3384434230027 (READ-ONLY COPY).

The authoritative reference and input builder live on the scoring server;
editing this copy changes nothing except your own understanding.
"""

import jax, jax.numpy as jnp
import numpy as np

NP_ = 10000
NM_ = 10000
EP_ = 320000
EM_ = 320000
VOCAB = 125
HID = 128
ACT = 3
G = 64
IN_DIM = VOCAB + 3


def setup_inputs(seed: int = 0):
    key = jax.random.key(seed)
    ks = jax.random.split(key, 24)
    def w(k, shp):
        return jax.random.normal(k, shp, dtype=jnp.float32) * 0.05
    inp = {}
    inp["protein_residue_name"] = jax.random.randint(ks[0], (NP_,), 0, VOCAB)
    inp["protein_pos"] = jax.random.normal(ks[1], (NP_, 3), dtype=jnp.float32)
    inp["protein_edge_index"] = jax.random.randint(ks[2], (2, EP_), 0, NP_)
    inp["protein_batch"] = jnp.sort(jax.random.randint(ks[3], (NP_,), 0, G))
    inp["mm_residue_name"] = jax.random.randint(ks[4], (NM_,), 0, VOCAB)
    inp["mm_pos"] = jax.random.normal(ks[5], (NM_, 3), dtype=jnp.float32)
    inp["mm_edge_index"] = jax.random.randint(ks[6], (2, EM_), 0, NM_)
    inp["mm_batch"] = jnp.sort(jax.random.randint(ks[7], (NM_,), 0, G))
    inp["Wp1"] = w(ks[8], (IN_DIM, HID)); inp["bp1"] = jnp.zeros((HID,), jnp.float32)
    inp["Wp2"] = w(ks[9], (HID, HID)); inp["bp2"] = jnp.zeros((HID,), jnp.float32)
    inp["Wm1"] = w(ks[10], (IN_DIM, HID)); inp["bm1"] = jnp.zeros((HID,), jnp.float32)
    inp["Wm2"] = w(ks[11], (HID, HID)); inp["bm2"] = jnp.zeros((HID,), jnp.float32)
    inp["Wf1"] = w(ks[12], (2 * HID, HID)); inp["bf1"] = jnp.zeros((HID,), jnp.float32)
    inp["Wf2"] = w(ks[13], (HID, ACT)); inp["bf2"] = jnp.zeros((ACT,), jnp.float32)
    return inp


def gcn_conv(x, edge_index, W, b):
    # PyG GCNConv: linear -> add self loops -> symmetric norm -> scatter-add -> bias
    N = x.shape[0]
    loop = jnp.arange(N, dtype=edge_index.dtype)
    src = jnp.concatenate([edge_index[0], loop])
    dst = jnp.concatenate([edge_index[1], loop])
    deg = jax.ops.segment_sum(jnp.ones_like(src, dtype=x.dtype), dst, num_segments=N)
    dinv = jax.lax.rsqrt(jnp.maximum(deg, 1e-12))
    norm = dinv[src] * dinv[dst]
    h = x @ W
    msg = h[src] * norm[:, None]
    out = jax.ops.segment_sum(msg, dst, num_segments=N)
    return out + b


def global_mean_pool(x, batch, num_graphs):
    sums = jax.ops.segment_sum(x, batch, num_segments=num_graphs)
    cnt = jax.ops.segment_sum(jnp.ones((x.shape[0],), x.dtype), batch, num_segments=num_graphs)
    return sums / jnp.maximum(cnt, 1.0)[:, None]


def reference(protein_residue_name, protein_pos, protein_edge_index, protein_batch,
              mm_residue_name, mm_pos, mm_edge_index, mm_batch,
              Wp1, bp1, Wp2, bp2, Wm1, bm1, Wm2, bm2, Wf1, bf1, Wf2, bf2):
    # protein branch
    x_p = jnp.concatenate([jax.nn.one_hot(protein_residue_name, VOCAB, dtype=jnp.float32), protein_pos], axis=1)
    x_p = jax.nn.relu(gcn_conv(x_p, protein_edge_index, Wp1, bp1))
    x_p = jax.nn.relu(gcn_conv(x_p, protein_edge_index, Wp2, bp2))
    protein_embedding = global_mean_pool(x_p, protein_batch, G)
    # micromolecule branch
    x_m = jnp.concatenate([jax.nn.one_hot(mm_residue_name, VOCAB, dtype=jnp.float32), mm_pos], axis=1)
    x_m = jax.nn.relu(gcn_conv(x_m, mm_edge_index, Wm1, bm1))
    x_m = jax.nn.relu(gcn_conv(x_m, mm_edge_index, Wm2, bm2))
    # inject protein context per micromolecule node
    protein_context = protein_embedding[mm_batch]
    feat = jnp.concatenate([x_m, protein_context], axis=1)
    h = jax.nn.relu(feat @ Wf1 + bf1)
    per_node_action = h @ Wf2 + bf2
    return per_node_action

if __name__ == "__main__":
    import jax
    _d = setup_inputs()
    print(jax.jit(kernel)(*tuple(_d.values())))

</pallas_src>

<mosaic_0001>
#map = affine_map<(d0, d1) -> (0)>
module attributes {stable_mosaic.version = 14 : i64} {
  func.func @_deg_kernel(%arg0: i32, %arg1: i32, %arg2: memref<655360xi32, #tpu.memory_space<hbm>>, %arg3: memref<327680xf32, #tpu.memory_space<hbm>>, %arg4: memref<2048xi32, #tpu.memory_space<vmem>>, %arg5: memref<10240xf32, #tpu.memory_space<vmem>>) attributes {dimension_semantics = [#tpu.dimension_semantics<core_parallel>, #tpu.dimension_semantics<subcore_parallel>], iteration_bounds = array<i64: 2, 16>, scalar_prefetch = 0 : i64, scratch_operands = 2 : i64, tpu.core_type = #tpu.core_type<sc_vector_subcore>, window_params = [{transform_indices = #map}, {transform_indices = #map}]} {
    %broadcast_in_dim3A = arith.constant 0.000000e+00 : f32
    %broadcast_in_dim3A_0 = vector.broadcast %broadcast_in_dim3A : f32 to vector<16xf32>
    %broadcast_in_dim3A_1 = arith.constant 1.000000e+00 : f32
    %broadcast_in_dim3A_2 = vector.broadcast %broadcast_in_dim3A_1 : f32 to vector<16xf32>
    %scan3A = arith.constant 0 : i32
    %scan3A_3 = arith.constant 640 : i32
    %scan3A_4 = arith.addi %scan3A, %scan3A_3 : i32
    %scan3A_5 = arith.constant 1 : i32
    scf.for %scan3A_20 = %scan3A to %scan3A_4 step %scan3A_5  : i32 {
      %mul3A_21 = arith.constant 16 : i32
      %mul3A_22 = arith.muli %scan3A_20, %mul3A_21 : i32
      %swap3A = arith.index_cast %mul3A_22 : i32 to index
      %swap3A_23 = tpu.vector_load %arg5[%swap3A] {strides = array<i32>} : memref<10240xf32, #tpu.memory_space<vmem>>, vector<16xf32>,
      tpu.vector_store %arg5[%swap3A], %broadcast_in_dim3A_0 {strides = array<i32>} : memref<10240xf32, #tpu.memory_space<vmem>>, vector<16xf32>,
    }
    %scan3A_6 = arith.constant 640 : i32
    %mul3A = arith.constant 327680 : i32
    %mul3A_7 = arith.muli %arg0, %mul3A : i32
    %mul3A_8 = arith.constant 20480 : i32
    %mul3A_9 = arith.muli %arg1, %mul3A_8 : i32
    %add3A = arith.addi %mul3A_7, %mul3A_9 : i32
    %scan3A_10 = arith.constant 0 : i32
    %scan3A_11 = arith.constant 10 : i32
    %scan3A_12 = arith.addi %scan3A_10, %scan3A_11 : i32
    %scan3A_13 = arith.constant 1 : i32
    scf.for %scan3A_20 = %scan3A_10 to %scan3A_12 step %scan3A_13  : i32 {
      %mul3A_21 = arith.constant 2048 : i32
      %mul3A_22 = arith.muli %scan3A_20, %mul3A_21 : i32
      %add3A_23 = arith.addi %add3A, %mul3A_22 : i32
      "tpu.region"() ({
        %run_scoped3A = tpu.sem_alloc : memref<!tpu.dma_semaphore, #tpu.memory_space<semaphore_mem>>
        %dma_start3A = tpu.memref_slice %arg2[%add3A_23] : memref<655360xi32, #tpu.memory_space<hbm>> -> memref<2048xi32, #tpu.memory_space<hbm>>
        %dma_start3A_29 = tpu.memref_slice %arg2[%add3A_23] : memref<655360xi32, #tpu.memory_space<hbm>> -> memref<2048xi32, #tpu.memory_space<hbm>>
        tpu.enqueue_dma source(%dma_start3A_29 : memref<2048xi32, #tpu.memory_space<hbm>>) target(%arg4 : memref<2048xi32, #tpu.memory_space<vmem>>) target_semaphore(%run_scoped3A : memref<!tpu.dma_semaphore, #tpu.memory_space<semaphore_mem>>)
        %dma_wait3A = tpu.memref_slice %arg2[%add3A_23] : memref<655360xi32, #tpu.memory_space<hbm>> -> memref<2048xi32, #tpu.memory_space<hbm>>
        %dma_wait3A_30 = tpu.memref_slice %arg2[%add3A_23] : memref<655360xi32, #tpu.memory_space<hbm>> -> memref<2048xi32, #tpu.memory_space<hbm>>
        tpu.wait_dma2 semaphore(%run_scoped3A : memref<!tpu.dma_semaphore, #tpu.memory_space<semaphore_mem>>) src(%dma_wait3A_30 : memref<2048xi32, #tpu.memory_space<hbm>>) dst(%arg4 : memref<2048xi32, #tpu.memory_space<vmem>>)
        tpu.yield
      }) : () -> ()
      %scan3A_24 = arith.constant 0 : i32
      %scan3A_25 = arith.constant 128 : i32
      %scan3A_26 = arith.addi %scan3A_24, %scan3A_25 : i32
      %scan3A_27 = arith.constant 1 : i32
      scf.for %scan3A_29 = %scan3A_24 to %scan3A_26 step %scan3A_27  : i32 {
        %mul3A_30 = arith.constant 16 : i32
        %mul3A_31 = arith.muli %scan3A_29, %mul3A_30 : i32
        %get3A = arith.index_cast %mul3A_31 : i32 to index
        %get3A_32 = tpu.vector_load %arg4[%get3A] {strides = array<i32>} : memref<2048xi32, #tpu.memory_space<vmem>>, vector<16xi32>,
        tpu.vector_store_idx %arg5[%get3A_32], %broadcast_in_dim3A_2 {add = true} : memref<10240xf32, #tpu.memory_space<vmem>>[vector<16xi32>], vector<16xf32>,
      }
      %scan3A_28 = arith.constant 128 : i32
    }
    %scan3A_14 = arith.constant 10 : i32
    %mul3A_15 = arith.constant 16 : i32
    %mul3A_16 = arith.muli %arg0, %mul3A_15 : i32
    %add3A_17 = arith.addi %mul3A_16, %arg1 : i32
    %mul3A_18 = arith.constant 10240 : i32
    %mul3A_19 = arith.muli %add3A_17, %mul3A_18 : i32
    "tpu.region"() ({
      %run_scoped3A = tpu.sem_alloc : memref<!tpu.dma_semaphore, #tpu.memory_space<semaphore_mem>>
      %dma_start3A = tpu.memref_slice %arg3[%mul3A_19] : memref<327680xf32, #tpu.memory_space<hbm>> -> memref<10240xf32, #tpu.memory_space<hbm>>
      %dma_start3A_20 = tpu.memref_slice %arg3[%mul3A_19] : memref<327680xf32, #tpu.memory_space<hbm>> -> memref<10240xf32, #tpu.memory_space<hbm>>
      tpu.enqueue_dma source(%arg5 : memref<10240xf32, #tpu.memory_space<vmem>>) target(%dma_start3A_20 : memref<10240xf32, #tpu.memory_space<hbm>>) target_semaphore(%run_scoped3A : memref<!tpu.dma_semaphore, #tpu.memory_space<semaphore_mem>>)
      %dma_wait3A = tpu.memref_slice %arg3[%mul3A_19] : memref<327680xf32, #tpu.memory_space<hbm>> -> memref<10240xf32, #tpu.memory_space<hbm>>
      %dma_wait3A_21 = tpu.memref_slice %arg3[%mul3A_19] : memref<327680xf32, #tpu.memory_space<hbm>> -> memref<10240xf32, #tpu.memory_space<hbm>>
      tpu.wait_dma2 semaphore(%run_scoped3A : memref<!tpu.dma_semaphore, #tpu.memory_space<semaphore_mem>>) src(%arg5 : memref<10240xf32, #tpu.memory_space<vmem>>) dst(%dma_wait3A_21 : memref<10240xf32, #tpu.memory_space<hbm>>)
      tpu.yield
    }) : () -> ()
    return
  }
}

#map = affine_map<(d0, d1) -> (0, 0)>
module attributes {stable_mosaic.version = 14 : i64} {
  func.func @_mp_kernel(%arg0: i32, %arg1: i32, %arg2: memref<20000x128xf32, #tpu.memory_space<hbm>>, %arg3: memref<5120x128xi32, #tpu.memory_space<hbm>>, %arg4: memref<5120x128xi32, #tpu.memory_space<hbm>>, %arg5: memref<10240x128xf32, #tpu.memory_space<hbm>>, %arg6: memref<20480x128xf32, #tpu.memory_space<hbm>>, %arg7: memref<32x128xi32, #tpu.memory_space<vmem>>, %arg8: memref<32x128xi32, #tpu.memory_space<vmem>>, %arg9: memref<128x128xf32, #tpu.memory_space<vmem>>, %arg10: memref<128x128xf32, #tpu.memory_space<vmem>>, %arg11: memref<10240x128xf32, #tpu.memory_space<vmem_shared>>, %arg12: memref<!tpu.dma_semaphore, #tpu.memory_space<semaphore_mem>>, %arg13: memref<!tpu.dma_semaphore, #tpu.memory_space<semaphore_mem>>) attributes {dimension_semantics = [#tpu.dimension_semantics<core_parallel>, #tpu.dimension_semantics<subcore_parallel>], iteration_bounds = array<i64: 2, 16>, scalar_prefetch = 0 : i64, scratch_operands = 7 : i64, tpu.core_type = #tpu.core_type<sc_vector_subcore>, window_params = [{transform_indices = #map}, {transform_indices = #map}, {transform_indices = #map}, {transform_indices = #map}, {transform_indices = #map}]} {
    %mul3A = arith.constant 640 : i32
    %mul3A_0 = arith.muli %arg1, %mul3A : i32
    %mul3A_1 = arith.constant 640 : i32
    %mul3A_2 = arith.muli %arg1, %mul3A_1 : i32
    "tpu.region"() ({
      %run_scoped3A = tpu.sem_alloc : memref<!tpu.dma_semaphore, #tpu.memory_space<semaphore_mem>>
      %dma_start3A = arith.constant 0 : i32
      %dma_start3A_19 = tpu.memref_slice %arg11[%mul3A_2, %dma_start3A] : memref<10240x128xf32, #tpu.memory_space<vmem_shared>> -> memref<640x128xf32, #tpu.memory_space<vmem_shared>>
      %dma_start3A_20 = arith.constant 0 : i32
      %dma_start3A_21 = tpu.memref_slice %arg5[%mul3A_0, %dma_start3A_20] : memref<10240x128xf32, #tpu.memory_space<hbm>> -> memref<640x128xf32, #tpu.memory_space<hbm>>
      tpu.enqueue_dma source(%dma_start3A_21 : memref<640x128xf32, #tpu.memory_space<hbm>>) target(%dma_start3A_19 : memref<640x128xf32, #tpu.memory_space<vmem_shared>>) target_semaphore(%run_scoped3A : memref<!tpu.dma_semaphore, #tpu.memory_space<semaphore_mem>>)
      %dma_wait3A = arith.constant 0 : i32
      %dma_wait3A_22 = tpu.memref_slice %arg11[%mul3A_2, %dma_wait3A] : memref<10240x128xf32, #tpu.memory_space<vmem_shared>> -> memref<640x128xf32, #tpu.memory_space<vmem_shared>>
      %dma_wait3A_23 = arith.constant 0 : i32
      %dma_wait3A_24 = tpu.memref_slice %arg5[%mul3A_0, %dma_wait3A_23] : memref<10240x128xf32, #tpu.memory_space<hbm>> -> memref<640x128xf32, #tpu.memory_space<hbm>>
      tpu.wait_dma2 semaphore(%run_scoped3A : memref<!tpu.dma_semaphore, #tpu.memory_space<semaphore_mem>>) src(%dma_wait3A_24 : memref<640x128xf32, #tpu.memory_space<hbm>>) dst(%dma_wait3A_22 : memref<640x128xf32, #tpu.memory_space<vmem_shared>>)
      tpu.yield
    }) : () -> ()
    %mul3A_3 = arith.constant 2560 : i32
    %mul3A_4 = arith.muli %arg0, %mul3A_3 : i32
    %mul3A_5 = arith.constant 160 : i32
    %mul3A_6 = arith.muli %arg1, %mul3A_5 : i32
    %add3A = arith.addi %mul3A_4, %mul3A_6 : i32
    %barrier3A = arith.constant 0 : index
    tpu.barrier barrier_id(%barrier3A)
    %scan3A = arith.constant 0 : i32
    %scan3A_7 = arith.constant 5 : i32
    %scan3A_8 = arith.addi %scan3A, %scan3A_7 : i32
    %scan3A_9 = arith.constant 1 : i32
    scf.for %scan3A_19 = %scan3A to %scan3A_8 step %scan3A_9  : i32 {
      %mul3A_20 = arith.constant 32 : i32
      %mul3A_21 = arith.muli %scan3A_19, %mul3A_20 : i32
      %add3A_22 = arith.addi %add3A, %mul3A_21 : i32
      "tpu.region"() ({
        %run_scoped3A = tpu.sem_alloc : memref<!tpu.dma_semaphore, #tpu.memory_space<semaphore_mem>>
        %dma_start3A_41 = arith.constant 0 : i32
        %dma_start3A_42 = tpu.memref_slice %arg3[%add3A_22, %dma_start3A_41] : memref<5120x128xi32, #tpu.memory_space<hbm>> -> memref<32x128xi32, #tpu.memory_space<hbm>>
        %dma_start3A_43 = arith.constant 0 : i32
        %dma_start3A_44 = tpu.memref_slice %arg3[%add3A_22, %dma_start3A_43] : memref<5120x128xi32, #tpu.memory_space<hbm>> -> memref<32x128xi32, #tpu.memory_space<hbm>>
        tpu.enqueue_dma source(%dma_start3A_44 : memref<32x128xi32, #tpu.memory_space<hbm>>) target(%arg7 : memref<32x128xi32, #tpu.memory_space<vmem>>) target_semaphore(%run_scoped3A : memref<!tpu.dma_semaphore, #tpu.memory_space<semaphore_mem>>)
        %dma_wait3A = arith.constant 0 : i32
        %dma_wait3A_45 = tpu.memref_slice %arg3[%add3A_22, %dma_wait3A] : memref<5120x128xi32, #tpu.memory_space<hbm>> -> memref<32x128xi32, #tpu.memory_space<hbm>>
        %dma_wait3A_46 = arith.constant 0 : i32
        %dma_wait3A_47 = tpu.memref_slice %arg3[%add3A_22, %dma_wait3A_46] : memref<5120x128xi32, #tpu.memory_space<hbm>> -> memref<32x128xi32, #tpu.memory_space<hbm>>
        tpu.wait_dma2 semaphore(%run_scoped3A : memref<!tpu.dma_semaphore, #tpu.memory_space<semaphore_mem>>) src(%dma_wait3A_47 : memref<32x128xi32, #tpu.memory_space<hbm>>) dst(%arg7 : memref<32x128xi32, #tpu.memory_space<vmem>>)
        tpu.yield
      }) : () -> ()
      "tpu.region"() ({
        %run_scoped3A = tpu.sem_alloc : memref<!tpu.dma_semaphore, #tpu.memory_space<semaphore_mem>>
        %dma_start3A_41 = arith.constant 0 : i32
        %dma_start3A_42 = tpu.memref_slice %arg4[%add3A_22, %dma_start3A_41] : memref<5120x128xi32, #tpu.memory_space<hbm>> -> memref<32x128xi32, #tpu.memory_space<hbm>>
        %dma_start3A_43 = arith.constant 0 : i32
        %dma_start3A_44 = tpu.memref_slice %arg4[%add3A_22, %dma_start3A_43] : memref<5120x128xi32, #tpu.memory_space<hbm>> -> memref<32x128xi32, #tpu.memory_space<hbm>>
        tpu.enqueue_dma source(%dma_start3A_44 : memref<32x128xi32, #tpu.memory_space<hbm>>) target(%arg8 : memref<32x128xi32, #tpu.memory_space<vmem>>) target_semaphore(%run_scoped3A : memref<!tpu.dma_semaphore, #tpu.memory_space<semaphore_mem>>)
        %dma_wait3A = arith.constant 0 : i32
        %dma_wait3A_45 = tpu.memref_slice %arg4[%add3A_22, %dma_wait3A] : memref<5120x128xi32, #tpu.memory_space<hbm>> -> memref<32x128xi32, #tpu.memory_space<hbm>>
        %dma_wait3A_46 = arith.constant 0 : i32
        %dma_wait3A_47 = tpu.memref_slice %arg4[%add3A_22, %dma_wait3A_46] : memref<5120x128xi32, #tpu.memory_space<hbm>> -> memref<32x128xi32, #tpu.memory_space<hbm>>
        tpu.wait_dma2 semaphore(%run_scoped3A : memref<!tpu.dma_semaphore, #tpu.memory_space<semaphore_mem>>) src(%dma_wait3A_47 : memref<32x128xi32, #tpu.memory_space<hbm>>) dst(%arg8 : memref<32x128xi32, #tpu.memory_space<vmem>>)
        tpu.yield
      }) : () -> ()
      %dma_start3A = arith.constant 0 : i32
      %dma_start3A_23 = arith.constant 0 : i32
      %dma_start3A_24 = tpu.memref_slice %arg7[%dma_start3A, %dma_start3A_23] : memref<32x128xi32, #tpu.memory_space<vmem>> -> memref<1x128xi32, #tpu.memory_space<vmem>>
      %dma_start3A_25 = tpu.memref_squeeze %dma_start3A_24 : memref<1x128xi32, #tpu.memory_space<vmem>> -> memref<128xi32, #tpu.memory_space<vmem>>
      %dma_start3A_26 = arith.constant 0 : i32
      %dma_start3A_27 = arith.constant 0 : i32
      %dma_start3A_28 = tpu.memref_slice %arg2[%dma_start3A_26, %dma_start3A_27] : memref<20000x128xf32, #tpu.memory_space<hbm>> -> memref<20000x128xf32, #tpu.memory_space<hbm>>
      tpu.enqueue_indirect_dma source(%dma_start3A_28 : memref<20000x128xf32, #tpu.memory_space<hbm>>) target(%arg9 : memref<128x128xf32, #tpu.memory_space<vmem>>) offsets(%dma_start3A_25 : memref<128xi32, #tpu.memory_space<vmem>>) semaphore(%arg12 : memref<!tpu.dma_semaphore, #tpu.memory_space<semaphore_mem>>)
      %dma_start3A_29 = arith.constant 1 : i32
      %dma_start3A_30 = arith.constant 0 : i32
      %dma_start3A_31 = tpu.memref_slice %arg7[%dma_start3A_29, %dma_start3A_30] : memref<32x128xi32, #tpu.memory_space<vmem>> -> memref<1x128xi32, #tpu.memory_space<vmem>>
      %dma_start3A_32 = tpu.memref_squeeze %dma_start3A_31 : memref<1x128xi32, #tpu.memory_space<vmem>> -> memref<128xi32, #tpu.memory_space<vmem>>
      %dma_start3A_33 = arith.constant 0 : i32
      %dma_start3A_34 = arith.constant 0 : i32
      %dma_start3A_35 = tpu.memref_slice %arg2[%dma_start3A_33, %dma_start3A_34] : memref<20000x128xf32, #tpu.memory_space<hbm>> -> memref<20000x128xf32, #tpu.memory_space<hbm>>
      tpu.enqueue_indirect_dma source(%dma_start3A_35 : memref<20000x128xf32, #tpu.memory_space<hbm>>) target(%arg10 : memref<128x128xf32, #tpu.memory_space<vmem>>) offsets(%dma_start3A_32 : memref<128xi32, #tpu.memory_space<vmem>>) semaphore(%arg13 : memref<!tpu.dma_semaphore, #tpu.memory_space<semaphore_mem>>)
      %scan3A_36 = arith.constant 0 : i32
      %scan3A_37 = arith.constant 16 : i32
      %scan3A_38 = arith.addi %scan3A_36, %scan3A_37 : i32
      %scan3A_39 = arith.constant 1 : i32
      scf.for %scan3A_41 = %scan3A_36 to %scan3A_38 step %scan3A_39  : i32 {
        %mul3A_42 = arith.constant 2 : i32
        %mul3A_43 = arith.muli %mul3A_42, %scan3A_41 : i32
        %add3A_44 = arith.constant 0 : i32
        %add3A_45 = arith.addi %mul3A_43, %add3A_44 : i32
        %dma_wait3A = arith.constant 0 : i32
        %dma_wait3A_46 = arith.constant 0 : i32
        %dma_wait3A_47 = tpu.memref_slice %arg2[%dma_wait3A, %dma_wait3A_46] : memref<20000x128xf32, #tpu.memory_space<hbm>> -> memref<128x128xf32, #tpu.memory_space<hbm>>
        %dma_wait3A_48 = arith.constant 0 : i32
        %dma_wait3A_49 = arith.constant 0 : i32
        %dma_wait3A_50 = tpu.memref_slice %arg2[%dma_wait3A_48, %dma_wait3A_49] : memref<20000x128xf32, #tpu.memory_space<hbm>> -> memref<128x128xf32, #tpu.memory_space<hbm>>
        tpu.wait_dma2 semaphore(%arg12 : memref<!tpu.dma_semaphore, #tpu.memory_space<semaphore_mem>>) src(%dma_wait3A_50 : memref<128x128xf32, #tpu.memory_space<hbm>>) dst(%arg9 : memref<128x128xf32, #tpu.memory_space<vmem>>)
        "tpu.region"() ({
          %run_scoped3A = tpu.sem_alloc : memref<!tpu.dma_semaphore, #tpu.memory_space<semaphore_mem>>
          %dma_start3A_72 = arith.constant 0 : i32
          %dma_start3A_73 = tpu.memref_slice %arg8[%add3A_45, %dma_start3A_72] : memref<32x128xi32, #tpu.memory_space<vmem>> -> memref<1x128xi32, #tpu.memory_space<vmem>>
          %dma_start3A_74 = tpu.memref_squeeze %dma_start3A_73 : memref<1x128xi32, #tpu.memory_space<vmem>> -> memref<128xi32, #tpu.memory_space<vmem>>
          %dma_start3A_75 = arith.constant 0 : i32
          %dma_start3A_76 = arith.constant 0 : i32
          %dma_start3A_77 = tpu.memref_slice %arg11[%dma_start3A_75, %dma_start3A_76] : memref<10240x128xf32, #tpu.memory_space<vmem_shared>> -> memref<10240x128xf32, #tpu.memory_space<vmem_shared>>
          tpu.enqueue_indirect_dma source(%arg9 : memref<128x128xf32, #tpu.memory_space<vmem>>) target(%dma_start3A_77 : memref<10240x128xf32, #tpu.memory_space<vmem_shared>>) offsets(%dma_start3A_74 : memref<128xi32, #tpu.memory_space<vmem>>) semaphore(%run_scoped3A : memref<!tpu.dma_semaphore, #tpu.memory_space<semaphore_mem>>) {add = true}
          %dma_wait3A_78 = arith.constant 0 : i32
          %dma_wait3A_79 = tpu.memref_slice %arg8[%add3A_45, %dma_wait3A_78] : memref<32x128xi32, #tpu.memory_space<vmem>> -> memref<1x128xi32, #tpu.memory_space<vmem>>
          %dma_wait3A_80 = tpu.memref_squeeze %dma_wait3A_79 : memref<1x128xi32, #tpu.memory_space<vmem>> -> memref<128xi32, #tpu.memory_space<vmem>>
          %dma_wait3A_81 = arith.constant 0 : i32
          %dma_wait3A_82 = arith.constant 0 : i32
          %dma_wait3A_83 = tpu.memref_slice %arg11[%dma_wait3A_81, %dma_wait3A_82] : memref<10240x128xf32, #tpu.memory_space<vmem_shared>> -> memref<10240x128xf32, #tpu.memory_space<vmem_shared>>
          tpu.wait_indirect_dma semaphore(%run_scoped3A : memref<!tpu.dma_semaphore, #tpu.memory_space<semaphore_mem>>) src(%arg9 : memref<128x128xf32, #tpu.memory_space<vmem>>) dst(%dma_wait3A_83 : memref<10240x128xf32, #tpu.memory_space<vmem_shared>>)
          tpu.yield
        }) : () -> ()
        %add3A_51 = arith.constant 2 : i32
        %add3A_52 = arith.addi %add3A_45, %add3A_51 : i32
        %lt3A = arith.constant 32 : i32
        %lt3A_53 = arith.cmpi slt, %add3A_52, %lt3A : i32
        %convert_element_type3A = arith.extui %lt3A_53 : i1 to i32
        %cond3A = arith.constant 0 : i32
        %cond3A_54 = arith.cmpi ne, %convert_element_type3A, %cond3A : i32
        scf.if %cond3A_54 {
          %add3A_72 = arith.constant 2 : i32
          %add3A_73 = arith.addi %add3A_45, %add3A_72 : i32
          %dma_start3A_74 = arith.constant 0 : i32
          %dma_start3A_75 = tpu.memref_slice %arg7[%add3A_73, %dma_start3A_74] : memref<32x128xi32, #tpu.memory_space<vmem>> -> memref<1x128xi32, #tpu.memory_space<vmem>>
          %dma_start3A_76 = tpu.memref_squeeze %dma_start3A_75 : memref<1x128xi32, #tpu.memory_space<vmem>> -> memref<128xi32, #tpu.memory_space<vmem>>
          %dma_start3A_77 = arith.constant 0 : i32
          %dma_start3A_78 = arith.constant 0 : i32
          %dma_start3A_79 = tpu.memref_slice %arg2[%dma_start3A_77, %dma_start3A_78] : memref<20000x128xf32, #tpu.memory_space<hbm>> -> memref<20000x128xf32, #tpu.memory_space<hbm>>
          tpu.enqueue_indirect_dma source(%dma_start3A_79 : memref<20000x128xf32, #tpu.memory_space<hbm>>) target(%arg9 : memref<128x128xf32, #tpu.memory_space<vmem>>) offsets(%dma_start3A_76 : memref<128xi32, #tpu.memory_space<vmem>>) semaphore(%arg12 : memref<!tpu.dma_semaphore, #tpu.memory_space<semaphore_mem>>)
        } else {
        }
        %mul3A_55 = arith.constant 2 : i32
        %mul3A_56 = arith.muli %mul3A_55, %scan3A_41 : i32
        %add3A_57 = arith.constant 1 : i32
        %add3A_58 = arith.addi %mul3A_56, %add3A_57 : i32
        %dma_wait3A_59 = arith.constant 0 : i32
        %dma_wait3A_60 = arith.constant 0 : i32
        %dma_wait3A_61 = tpu.memref_slice %arg2[%dma_wait3A_59, %dma_wait3A_60] : memref<20000x128xf32, #tpu.memory_space<hbm>> -> memref<128x128xf32, #tpu.memory_space<hbm>>
        %dma_wait3A_62 = arith.constant 0 : i32
        %dma_wait3A_63 = arith.constant 0 : i32
        %dma_wait3A_64 = tpu.memref_slice %arg2[%dma_wait3A_62, %dma_wait3A_63] : memref<20000x128xf32, #tpu.memory_space<hbm>> -> memref<128x128xf32, #tpu.memory_space<hbm>>
        tpu.wait_dma2 semaphore(%arg13 : memref<!tpu.dma_semaphore, #tpu.memory_space<semaphore_mem>>) src(%dma_wait3A_64 : memref<128x128xf32, #tpu.memory_space<hbm>>) dst(%arg10 : memref<128x128xf32, #tpu.memory_space<vmem>>)
        "tpu.region"() ({
          %run_scoped3A = tpu.sem_alloc : memref<!tpu.dma_semaphore, #tpu.memory_space<semaphore_mem>>
          %dma_start3A_72 = arith.constant 0 : i32
          %dma_start3A_73 = tpu.memref_slice %arg8[%add3A_58, %dma_start3A_72] : memref<32x128xi32, #tpu.memory_space<vmem>> -> memref<1x128xi32, #tpu.memory_space<vmem>>
          %dma_start3A_74 = tpu.memref_squeeze %dma_start3A_73 : memref<1x128xi32, #tpu.memory_space<vmem>> -> memref<128xi32, #tpu.memory_space<vmem>>
          %dma_start3A_75 = arith.constant 0 : i32
          %dma_start3A_76 = arith.constant 0 : i32
          %dma_start3A_77 = tpu.memref_slice %arg11[%dma_start3A_75, %dma_start3A_76] : memref<10240x128xf32, #tpu.memory_space<vmem_shared>> -> memref<10240x128xf32, #tpu.memory_space<vmem_shared>>
          tpu.enqueue_indirect_dma source(%arg10 : memref<128x128xf32, #tpu.memory_space<vmem>>) target(%dma_start3A_77 : memref<10240x128xf32, #tpu.memory_space<vmem_shared>>) offsets(%dma_start3A_74 : memref<128xi32, #tpu.memory_space<vmem>>) semaphore(%run_scoped3A : memref<!tpu.dma_semaphore, #tpu.memory_space<semaphore_mem>>) {add = true}
          %dma_wait3A_78 = arith.constant 0 : i32
          %dma_wait3A_79 = tpu.memref_slice %arg8[%add3A_58, %dma_wait3A_78] : memref<32x128xi32, #tpu.memory_space<vmem>> -> memref<1x128xi32, #tpu.memory_space<vmem>>
          %dma_wait3A_80 = tpu.memref_squeeze %dma_wait3A_79 : memref<1x128xi32, #tpu.memory_space<vmem>> -> memref<128xi32, #tpu.memory_space<vmem>>
          %dma_wait3A_81 = arith.constant 0 : i32
          %dma_wait3A_82 = arith.constant 0 : i32
          %dma_wait3A_83 = tpu.memref_slice %arg11[%dma_wait3A_81, %dma_wait3A_82] : memref<10240x128xf32, #tpu.memory_space<vmem_shared>> -> memref<10240x128xf32, #tpu.memory_space<vmem_shared>>
          tpu.wait_indirect_dma semaphore(%run_scoped3A : memref<!tpu.dma_semaphore, #tpu.memory_space<semaphore_mem>>) src(%arg10 : memref<128x128xf32, #tpu.memory_space<vmem>>) dst(%dma_wait3A_83 : memref<10240x128xf32, #tpu.memory_space<vmem_shared>>)
          tpu.yield
        }) : () -> ()
        %add3A_65 = arith.constant 2 : i32
        %add3A_66 = arith.addi %add3A_58, %add3A_65 : i32
        %lt3A_67 = arith.constant 32 : i32
        %lt3A_68 = arith.cmpi slt, %add3A_66, %lt3A_67 : i32
        %convert_element_type3A_69 = arith.extui %lt3A_68 : i1 to i32
        %cond3A_70 = arith.constant 0 : i32
        %cond3A_71 = arith.cmpi ne, %convert_element_type3A_69, %cond3A_70 : i32
        scf.if %cond3A_71 {
          %add3A_72 = arith.constant 2 : i32
          %add3A_73 = arith.addi %add3A_58, %add3A_72 : i32
          %dma_start3A_74 = arith.constant 0 : i32
          %dma_start3A_75 = tpu.memref_slice %arg7[%add3A_73, %dma_start3A_74] : memref<32x128xi32, #tpu.memory_space<vmem>> -> memref<1x128xi32, #tpu.memory_space<vmem>>
          %dma_start3A_76 = tpu.memref_squeeze %dma_start3A_75 : memref<1x128xi32, #tpu.memory_space<vmem>> -> memref<128xi32, #tpu.memory_space<vmem>>
          %dma_start3A_77 = arith.constant 0 : i32
          %dma_start3A_78 = arith.constant 0 : i32
          %dma_start3A_79 = tpu.memref_slice %arg2[%dma_start3A_77, %dma_start3A_78] : memref<20000x128xf32, #tpu.memory_space<hbm>> -> memref<20000x128xf32, #tpu.memory_space<hbm>>
          tpu.enqueue_indirect_dma source(%dma_start3A_79 : memref<20000x128xf32, #tpu.memory_space<hbm>>) target(%arg10 : memref<128x128xf32, #tpu.memory_space<vmem>>) offsets(%dma_start3A_76 : memref<128xi32, #tpu.memory_space<vmem>>) semaphore(%arg13 : memref<!tpu.dma_semaphore, #tpu.memory_space<semaphore_mem>>)
        } else {
        }
      }
      %scan3A_40 = arith.constant 16 : i32
    }
    %scan3A_10 = arith.constant 5 : i32
    %barrier3A_11 = arith.constant 0 : index
    tpu.barrier barrier_id(%barrier3A_11)
    %mul3A_12 = arith.constant 640 : i32
    %mul3A_13 = arith.muli %arg1, %mul3A_12 : i32
    %mul3A_14 = arith.constant 10240 : i32
    %mul3A_15 = arith.muli %arg0, %mul3A_14 : i32
    %mul3A_16 = arith.constant 640 : i32
    %mul3A_17 = arith.muli %arg1, %mul3A_16 : i32
    %add3A_18 = arith.addi %mul3A_15, %mul3A_17 : i32
    "tpu.region"() ({
      %run_scoped3A = tpu.sem_alloc : memref<!tpu.dma_semaphore, #tpu.memory_space<semaphore_mem>>
      %dma_start3A = arith.constant 0 : i32
      %dma_start3A_19 = tpu.memref_slice %arg6[%add3A_18, %dma_start3A] : memref<20480x128xf32, #tpu.memory_space<hbm>> -> memref<640x128xf32, #tpu.memory_space<hbm>>
      %dma_start3A_20 = arith.constant 0 : i32
      %dma_start3A_21 = tpu.memref_slice %arg11[%mul3A_13, %dma_start3A_20] : memref<10240x128xf32, #tpu.memory_space<vmem_shared>> -> memref<640x128xf32, #tpu.memory_space<vmem_shared>>
      tpu.enqueue_dma source(%dma_start3A_21 : memref<640x128xf32, #tpu.memory_space<vmem_shared>>) target(%dma_start3A_19 : memref<640x128xf32, #tpu.memory_space<hbm>>) target_semaphore(%run_scoped3A : memref<!tpu.dma_semaphore, #tpu.memory_space<semaphore_mem>>)
      %dma_wait3A = arith.constant 0 : i32
      %dma_wait3A_22 = tpu.memref_slice %arg6[%add3A_18, %dma_wait3A] : memref<20480x128xf32, #tpu.memory_space<hbm>> -> memref<640x128xf32, #tpu.memory_space<hbm>>
      %dma_wait3A_23 = arith.constant 0 : i32
      %dma_wait3A_24 = tpu.memref_slice %arg11[%mul3A_13, %dma_wait3A_23] : memref<10240x128xf32, #tpu.memory_space<vmem_shared>> -> memref<640x128xf32, #tpu.memory_space<vmem_shared>>
      tpu.wait_dma2 semaphore(%run_scoped3A : memref<!tpu.dma_semaphore, #tpu.memory_space<semaphore_mem>>) src(%dma_wait3A_24 : memref<640x128xf32, #tpu.memory_space<vmem_shared>>) dst(%dma_wait3A_22 : memref<640x128xf32, #tpu.memory_space<hbm>>)
      tpu.yield
    }) : () -> ()
    return
  }
}

#map = affine_map<(d0, d1) -> (0, 0)>
module attributes {stable_mosaic.version = 14 : i64} {
  func.func @_mp_kernel(%arg0: i32, %arg1: i32, %arg2: memref<20000x128xf32, #tpu.memory_space<hbm>>, %arg3: memref<5120x128xi32, #tpu.memory_space<hbm>>, %arg4: memref<5120x128xi32, #tpu.memory_space<hbm>>, %arg5: memref<10240x128xf32, #tpu.memory_space<hbm>>, %arg6: memref<20480x128xf32, #tpu.memory_space<hbm>>, %arg7: memref<32x128xi32, #tpu.memory_space<vmem>>, %arg8: memref<32x128xi32, #tpu.memory_space<vmem>>, %arg9: memref<128x128xf32, #tpu.memory_space<vmem>>, %arg10: memref<128x128xf32, #tpu.memory_space<vmem>>, %arg11: memref<10240x128xf32, #tpu.memory_space<vmem_shared>>, %arg12: memref<!tpu.dma_semaphore, #tpu.memory_space<semaphore_mem>>, %arg13: memref<!tpu.dma_semaphore, #tpu.memory_space<semaphore_mem>>) attributes {dimension_semantics = [#tpu.dimension_semantics<core_parallel>, #tpu.dimension_semantics<subcore_parallel>], iteration_bounds = array<i64: 2, 16>, scalar_prefetch = 0 : i64, scratch_operands = 7 : i64, tpu.core_type = #tpu.core_type<sc_vector_subcore>, window_params = [{transform_indices = #map}, {transform_indices = #map}, {transform_indices = #map}, {transform_indices = #map}, {transform_indices = #map}]} {
    %mul3A = arith.constant 640 : i32
    %mul3A_0 = arith.muli %arg1, %mul3A : i32
    %mul3A_1 = arith.constant 640 : i32
    %mul3A_2 = arith.muli %arg1, %mul3A_1 : i32
    "tpu.region"() ({
      %run_scoped3A = tpu.sem_alloc : memref<!tpu.dma_semaphore, #tpu.memory_space<semaphore_mem>>
      %dma_start3A = arith.constant 0 : i32
      %dma_start3A_19 = tpu.memref_slice %arg11[%mul3A_2, %dma_start3A] : memref<10240x128xf32, #tpu.memory_space<vmem_shared>> -> memref<640x128xf32, #tpu.memory_space<vmem_shared>>
      %dma_start3A_20 = arith.constant 0 : i32
      %dma_start3A_21 = tpu.memref_slice %arg5[%mul3A_0, %dma_start3A_20] : memref<10240x128xf32, #tpu.memory_space<hbm>> -> memref<640x128xf32, #tpu.memory_space<hbm>>
      tpu.enqueue_dma source(%dma_start3A_21 : memref<640x128xf32, #tpu.memory_space<hbm>>) target(%dma_start3A_19 : memref<640x128xf32, #tpu.memory_space<vmem_shared>>) target_semaphore(%run_scoped3A : memref<!tpu.dma_semaphore, #tpu.memory_space<semaphore_mem>>)
      %dma_wait3A = arith.constant 0 : i32
      %dma_wait3A_22 = tpu.memref_slice %arg11[%mul3A_2, %dma_wait3A] : memref<10240x128xf32, #tpu.memory_space<vmem_shared>> -> memref<640x128xf32, #tpu.memory_space<vmem_shared>>
      %dma_wait3A_23 = arith.constant 0 : i32
      %dma_wait3A_24 = tpu.memref_slice %arg5[%mul3A_0, %dma_wait3A_23] : memref<10240x128xf32, #tpu.memory_space<hbm>> -> memref<640x128xf32, #tpu.memory_space<hbm>>
      tpu.wait_dma2 semaphore(%run_scoped3A : memref<!tpu.dma_semaphore, #tpu.memory_space<semaphore_mem>>) src(%dma_wait3A_24 : memref<640x128xf32, #tpu.memory_space<hbm>>) dst(%dma_wait3A_22 : memref<640x128xf32, #tpu.memory_space<vmem_shared>>)
      tpu.yield
    }) : () -> ()
    %mul3A_3 = arith.constant 2560 : i32
    %mul3A_4 = arith.muli %arg0, %mul3A_3 : i32
    %mul3A_5 = arith.constant 160 : i32
    %mul3A_6 = arith.muli %arg1, %mul3A_5 : i32
    %add3A = arith.addi %mul3A_4, %mul3A_6 : i32
    %barrier3A = arith.constant 0 : index
    tpu.barrier barrier_id(%barrier3A)
    %scan3A = arith.constant 0 : i32
    %scan3A_7 = arith.constant 5 : i32
    %scan3A_8 = arith.addi %scan3A, %scan3A_7 : i32
    %scan3A_9 = arith.constant 1 : i32
    scf.for %scan3A_19 = %scan3A to %scan3A_8 step %scan3A_9  : i32 {
      %mul3A_20 = arith.constant 32 : i32
      %mul3A_21 = arith.muli %scan3A_19, %mul3A_20 : i32
      %add3A_22 = arith.addi %add3A, %mul3A_21 : i32
      "tpu.region"() ({
        %run_scoped3A = tpu.sem_alloc : memref<!tpu.dma_semaphore, #tpu.memory_space<semaphore_mem>>
        %dma_start3A_41 = arith.constant 0 : i32
        %dma_start3A_42 = tpu.memref_slice %arg3[%add3A_22, %dma_start3A_41] : memref<5120x128xi32, #tpu.memory_space<hbm>> -> memref<32x128xi32, #tpu.memory_space<hbm>>
        %dma_start3A_43 = arith.constant 0 : i32
        %dma_start3A_44 = tpu.memref_slice %arg3[%add3A_22, %dma_start3A_43] : memref<5120x128xi32, #tpu.memory_space<hbm>> -> memref<32x128xi32, #tpu.memory_space<hbm>>
        tpu.enqueue_dma source(%dma_start3A_44 : memref<32x128xi32, #tpu.memory_space<hbm>>) target(%arg7 : memref<32x128xi32, #tpu.memory_space<vmem>>) target_semaphore(%run_scoped3A : memref<!tpu.dma_semaphore, #tpu.memory_space<semaphore_mem>>)
        %dma_wait3A = arith.constant 0 : i32
        %dma_wait3A_45 = tpu.memref_slice %arg3[%add3A_22, %dma_wait3A] : memref<5120x128xi32, #tpu.memory_space<hbm>> -> memref<32x128xi32, #tpu.memory_space<hbm>>
        %dma_wait3A_46 = arith.constant 0 : i32
        %dma_wait3A_47 = tpu.memref_slice %arg3[%add3A_22, %dma_wait3A_46] : memref<5120x128xi32, #tpu.memory_space<hbm>> -> memref<32x128xi32, #tpu.memory_space<hbm>>
        tpu.wait_dma2 semaphore(%run_scoped3A : memref<!tpu.dma_semaphore, #tpu.memory_space<semaphore_mem>>) src(%dma_wait3A_47 : memref<32x128xi32, #tpu.memory_space<hbm>>) dst(%arg7 : memref<32x128xi32, #tpu.memory_space<vmem>>)
        tpu.yield
      }) : () -> ()
      "tpu.region"() ({
        %run_scoped3A = tpu.sem_alloc : memref<!tpu.dma_semaphore, #tpu.memory_space<semaphore_mem>>
        %dma_start3A_41 = arith.constant 0 : i32
        %dma_start3A_42 = tpu.memref_slice %arg4[%add3A_22, %dma_start3A_41] : memref<5120x128xi32, #tpu.memory_space<hbm>> -> memref<32x128xi32, #tpu.memory_space<hbm>>
        %dma_start3A_43 = arith.constant 0 : i32
        %dma_start3A_44 = tpu.memref_slice %arg4[%add3A_22, %dma_start3A_43] : memref<5120x128xi32, #tpu.memory_space<hbm>> -> memref<32x128xi32, #tpu.memory_space<hbm>>
        tpu.enqueue_dma source(%dma_start3A_44 : memref<32x128xi32, #tpu.memory_space<hbm>>) target(%arg8 : memref<32x128xi32, #tpu.memory_space<vmem>>) target_semaphore(%run_scoped3A : memref<!tpu.dma_semaphore, #tpu.memory_space<semaphore_mem>>)
        %dma_wait3A = arith.constant 0 : i32
        %dma_wait3A_45 = tpu.memref_slice %arg4[%add3A_22, %dma_wait3A] : memref<5120x128xi32, #tpu.memory_space<hbm>> -> memref<32x128xi32, #tpu.memory_space<hbm>>
        %dma_wait3A_46 = arith.constant 0 : i32
        %dma_wait3A_47 = tpu.memref_slice %arg4[%add3A_22, %dma_wait3A_46] : memref<5120x128xi32, #tpu.memory_space<hbm>> -> memref<32x128xi32, #tpu.memory_space<hbm>>
        tpu.wait_dma2 semaphore(%run_scoped3A : memref<!tpu.dma_semaphore, #tpu.memory_space<semaphore_mem>>) src(%dma_wait3A_47 : memref<32x128xi32, #tpu.memory_space<hbm>>) dst(%arg8 : memref<32x128xi32, #tpu.memory_space<vmem>>)
        tpu.yield
      }) : () -> ()
      %dma_start3A = arith.constant 0 : i32
      %dma_start3A_23 = arith.constant 0 : i32
      %dma_start3A_24 = tpu.memref_slice %arg7[%dma_start3A, %dma_start3A_23] : memref<32x128xi32, #tpu.memory_space<vmem>> -> memref<1x128xi32, #tpu.memory_space<vmem>>
      %dma_start3A_25 = tpu.memref_squeeze %dma_start3A_24 : memref<1x128xi32, #tpu.memory_space<vmem>> -> memref<128xi32, #tpu.memory_space<vmem>>
      %dma_start3A_26 = arith.constant 0 : i32
      %dma_start3A_27 = arith.constant 0 : i32
      %dma_start3A_28 = tpu.memref_slice %arg2[%dma_start3A_26, %dma_start3A_27] : memref<20000x128xf32, #tpu.memory_space<hbm>> -> memref<20000x128xf32, #tpu.memory_space<hbm>>
      tpu.enqueue_indirect_dma source(%dma_start3A_28 : memref<20000x128xf32, #tpu.memory_space<hbm>>) target(%arg9 : memref<128x128xf32, #tpu.memory_space<vmem>>) offsets(%dma_start3A_25 : memref<128xi32, #tpu.memory_space<vmem>>) semaphore(%arg12 : memref<!tpu.dma_semaphore, #tpu.memory_space<semaphore_mem>>)
      %dma_start3A_29 = arith.constant 1 : i32
      %dma_start3A_30 = arith.constant 0 : i32
      %dma_start3A_31 = tpu.memref_slice %arg7[%dma_start3A_29, %dma_start3A_30] : memref<32x128xi32, #tpu.memory_space<vmem>> -> memref<1x128xi32, #tpu.memory_space<vmem>>
      %dma_start3A_32 = tpu.memref_squeeze %dma_start3A_31 : memref<1x128xi32, #tpu.memory_space<vmem>> -> memref<128xi32, #tpu.memory_space<vmem>>
      %dma_start3A_33 = arith.constant 0 : i32
      %dma_start3A_34 = arith.constant 0 : i32
      %dma_start3A_35 = tpu.memref_slice %arg2[%dma_start3A_33, %dma_start3A_34] : memref<20000x128xf32, #tpu.memory_space<hbm>> -> memref<20000x128xf32, #tpu.memory_space<hbm>>
      tpu.enqueue_indirect_dma source(%dma_start3A_35 : memref<20000x128xf32, #tpu.memory_space<hbm>>) target(%arg10 : memref<128x128xf32, #tpu.memory_space<vmem>>) offsets(%dma_start3A_32 : memref<128xi32, #tpu.memory_space<vmem>>) semaphore(%arg13 : memref<!tpu.dma_semaphore, #tpu.memory_space<semaphore_mem>>)
      %scan3A_36 = arith.constant 0 : i32
      %scan3A_37 = arith.constant 16 : i32
      %scan3A_38 = arith.addi %scan3A_36, %scan3A_37 : i32
      %scan3A_39 = arith.constant 1 : i32
      scf.for %scan3A_41 = %scan3A_36 to %scan3A_38 step %scan3A_39  : i32 {
        %mul3A_42 = arith.constant 2 : i32
        %mul3A_43 = arith.muli %mul3A_42, %scan3A_41 : i32
        %add3A_44 = arith.constant 0 : i32
        %add3A_45 = arith.addi %mul3A_43, %add3A_44 : i32
        %dma_wait3A = arith.constant 0 : i32
        %dma_wait3A_46 = arith.constant 0 : i32
        %dma_wait3A_47 = tpu.memref_slice %arg2[%dma_wait3A, %dma_wait3A_46] : memref<20000x128xf32, #tpu.memory_space<hbm>> -> memref<128x128xf32, #tpu.memory_space<hbm>>
        %dma_wait3A_48 = arith.constant 0 : i32
        %dma_wait3A_49 = arith.constant 0 : i32
        %dma_wait3A_50 = tpu.memref_slice %arg2[%dma_wait3A_48, %dma_wait3A_49] : memref<20000x128xf32, #tpu.memory_space<hbm>> -> memref<128x128xf32, #tpu.memory_space<hbm>>
        tpu.wait_dma2 semaphore(%arg12 : memref<!tpu.dma_semaphore, #tpu.memory_space<semaphore_mem>>) src(%dma_wait3A_50 : memref<128x128xf32, #tpu.memory_space<hbm>>) dst(%arg9 : memref<128x128xf32, #tpu.memory_space<vmem>>)
        "tpu.region"() ({
          %run_scoped3A = tpu.sem_alloc : memref<!tpu.dma_semaphore, #tpu.memory_space<semaphore_mem>>
          %dma_start3A_72 = arith.constant 0 : i32
          %dma_start3A_73 = tpu.memref_slice %arg8[%add3A_45, %dma_start3A_72] : memref<32x128xi32, #tpu.memory_space<vmem>> -> memref<1x128xi32, #tpu.memory_space<vmem>>
          %dma_start3A_74 = tpu.memref_squeeze %dma_start3A_73 : memref<1x128xi32, #tpu.memory_space<vmem>> -> memref<128xi32, #tpu.memory_space<vmem>>
          %dma_start3A_75 = arith.constant 0 : i32
          %dma_start3A_76 = arith.constant 0 : i32
          %dma_start3A_77 = tpu.memref_slice %arg11[%dma_start3A_75, %dma_start3A_76] : memref<10240x128xf32, #tpu.memory_space<vmem_shared>> -> memref<10240x128xf32, #tpu.memory_space<vmem_shared>>
          tpu.enqueue_indirect_dma source(%arg9 : memref<128x128xf32, #tpu.memory_space<vmem>>) target(%dma_start3A_77 : memref<10240x128xf32, #tpu.memory_space<vmem_shared>>) offsets(%dma_start3A_74 : memref<128xi32, #tpu.memory_space<vmem>>) semaphore(%run_scoped3A : memref<!tpu.dma_semaphore, #tpu.memory_space<semaphore_mem>>) {add = true}
          %dma_wait3A_78 = arith.constant 0 : i32
          %dma_wait3A_79 = tpu.memref_slice %arg8[%add3A_45, %dma_wait3A_78] : memref<32x128xi32, #tpu.memory_space<vmem>> -> memref<1x128xi32, #tpu.memory_space<vmem>>
          %dma_wait3A_80 = tpu.memref_squeeze %dma_wait3A_79 : memref<1x128xi32, #tpu.memory_space<vmem>> -> memref<128xi32, #tpu.memory_space<vmem>>
          %dma_wait3A_81 = arith.constant 0 : i32
          %dma_wait3A_82 = arith.constant 0 : i32
          %dma_wait3A_83 = tpu.memref_slice %arg11[%dma_wait3A_81, %dma_wait3A_82] : memref<10240x128xf32, #tpu.memory_space<vmem_shared>> -> memref<10240x128xf32, #tpu.memory_space<vmem_shared>>
          tpu.wait_indirect_dma semaphore(%run_scoped3A : memref<!tpu.dma_semaphore, #tpu.memory_space<semaphore_mem>>) src(%arg9 : memref<128x128xf32, #tpu.memory_space<vmem>>) dst(%dma_wait3A_83 : memref<10240x128xf32, #tpu.memory_space<vmem_shared>>)
          tpu.yield
        }) : () -> ()
        %add3A_51 = arith.constant 2 : i32
        %add3A_52 = arith.addi %add3A_45, %add3A_51 : i32
        %lt3A = arith.constant 32 : i32
        %lt3A_53 = arith.cmpi slt, %add3A_52, %lt3A : i32
        %convert_element_type3A = arith.extui %lt3A_53 : i1 to i32
        %cond3A = arith.constant 0 : i32
        %cond3A_54 = arith.cmpi ne, %convert_element_type3A, %cond3A : i32
        scf.if %cond3A_54 {
          %add3A_72 = arith.constant 2 : i32
          %add3A_73 = arith.addi %add3A_45, %add3A_72 : i32
          %dma_start3A_74 = arith.constant 0 : i32
          %dma_start3A_75 = tpu.memref_slice %arg7[%add3A_73, %dma_start3A_74] : memref<32x128xi32, #tpu.memory_space<vmem>> -> memref<1x128xi32, #tpu.memory_space<vmem>>
          %dma_start3A_76 = tpu.memref_squeeze %dma_start3A_75 : memref<1x128xi32, #tpu.memory_space<vmem>> -> memref<128xi32, #tpu.memory_space<vmem>>
          %dma_start3A_77 = arith.constant 0 : i32
          %dma_start3A_78 = arith.constant 0 : i32
          %dma_start3A_79 = tpu.memref_slice %arg2[%dma_start3A_77, %dma_start3A_78] : memref<20000x128xf32, #tpu.memory_space<hbm>> -> memref<20000x128xf32, #tpu.memory_space<hbm>>
          tpu.enqueue_indirect_dma source(%dma_start3A_79 : memref<20000x128xf32, #tpu.memory_space<hbm>>) target(%arg9 : memref<128x128xf32, #tpu.memory_space<vmem>>) offsets(%dma_start3A_76 : memref<128xi32, #tpu.memory_space<vmem>>) semaphore(%arg12 : memref<!tpu.dma_semaphore, #tpu.memory_space<semaphore_mem>>)
        } else {
        }
        %mul3A_55 = arith.constant 2 : i32
        %mul3A_56 = arith.muli %mul3A_55, %scan3A_41 : i32
        %add3A_57 = arith.constant 1 : i32
        %add3A_58 = arith.addi %mul3A_56, %add3A_57 : i32
        %dma_wait3A_59 = arith.constant 0 : i32
        %dma_wait3A_60 = arith.constant 0 : i32
        %dma_wait3A_61 = tpu.memref_slice %arg2[%dma_wait3A_59, %dma_wait3A_60] : memref<20000x128xf32, #tpu.memory_space<hbm>> -> memref<128x128xf32, #tpu.memory_space<hbm>>
        %dma_wait3A_62 = arith.constant 0 : i32
        %dma_wait3A_63 = arith.constant 0 : i32
        %dma_wait3A_64 = tpu.memref_slice %arg2[%dma_wait3A_62, %dma_wait3A_63] : memref<20000x128xf32, #tpu.memory_space<hbm>> -> memref<128x128xf32, #tpu.memory_space<hbm>>
        tpu.wait_dma2 semaphore(%arg13 : memref<!tpu.dma_semaphore, #tpu.memory_space<semaphore_mem>>) src(%dma_wait3A_64 : memref<128x128xf32, #tpu.memory_space<hbm>>) dst(%arg10 : memref<128x128xf32, #tpu.memory_space<vmem>>)
        "tpu.region"() ({
          %run_scoped3A = tpu.sem_alloc : memref<!tpu.dma_semaphore, #tpu.memory_space<semaphore_mem>>
          %dma_start3A_72 = arith.constant 0 : i32
          %dma_start3A_73 = tpu.memref_slice %arg8[%add3A_58, %dma_start3A_72] : memref<32x128xi32, #tpu.memory_space<vmem>> -> memref<1x128xi32, #tpu.memory_space<vmem>>
          %dma_start3A_74 = tpu.memref_squeeze %dma_start3A_73 : memref<1x128xi32, #tpu.memory_space<vmem>> -> memref<128xi32, #tpu.memory_space<vmem>>
          %dma_start3A_75 = arith.constant 0 : i32
          %dma_start3A_76 = arith.constant 0 : i32
          %dma_start3A_77 = tpu.memref_slice %arg11[%dma_start3A_75, %dma_start3A_76] : memref<10240x128xf32, #tpu.memory_space<vmem_shared>> -> memref<10240x128xf32, #tpu.memory_space<vmem_shared>>
          tpu.enqueue_indirect_dma source(%arg10 : memref<128x128xf32, #tpu.memory_space<vmem>>) target(%dma_start3A_77 : memref<10240x128xf32, #tpu.memory_space<vmem_shared>>) offsets(%dma_start3A_74 : memref<128xi32, #tpu.memory_space<vmem>>) semaphore(%run_scoped3A : memref<!tpu.dma_semaphore, #tpu.memory_space<semaphore_mem>>) {add = true}
          %dma_wait3A_78 = arith.constant 0 : i32
          %dma_wait3A_79 = tpu.memref_slice %arg8[%add3A_58, %dma_wait3A_78] : memref<32x128xi32, #tpu.memory_space<vmem>> -> memref<1x128xi32, #tpu.memory_space<vmem>>
          %dma_wait3A_80 = tpu.memref_squeeze %dma_wait3A_79 : memref<1x128xi32, #tpu.memory_space<vmem>> -> memref<128xi32, #tpu.memory_space<vmem>>
          %dma_wait3A_81 = arith.constant 0 : i32
          %dma_wait3A_82 = arith.constant 0 : i32
          %dma_wait3A_83 = tpu.memref_slice %arg11[%dma_wait3A_81, %dma_wait3A_82] : memref<10240x128xf32, #tpu.memory_space<vmem_shared>> -> memref<10240x128xf32, #tpu.memory_space<vmem_shared>>
          tpu.wait_indirect_dma semaphore(%run_scoped3A : memref<!tpu.dma_semaphore, #tpu.memory_space<semaphore_mem>>) src(%arg10 : memref<128x128xf32, #tpu.memory_space<vmem>>) dst(%dma_wait3A_83 : memref<10240x128xf32, #tpu.memory_space<vmem_shared>>)
          tpu.yield
        }) : () -> ()
        %add3A_65 = arith.constant 2 : i32
        %add3A_66 = arith.addi %add3A_58, %add3A_65 : i32
        %lt3A_67 = arith.constant 32 : i32
        %lt3A_68 = arith.cmpi slt, %add3A_66, %lt3A_67 : i32
        %convert_element_type3A_69 = arith.extui %lt3A_68 : i1 to i32
        %cond3A_70 = arith.constant 0 : i32
        %cond3A_71 = arith.cmpi ne, %convert_element_type3A_69, %cond3A_70 : i32
        scf.if %cond3A_71 {
          %add3A_72 = arith.constant 2 : i32
          %add3A_73 = arith.addi %add3A_58, %add3A_72 : i32
          %dma_start3A_74 = arith.constant 0 : i32
          %dma_start3A_75 = tpu.memref_slice %arg7[%add3A_73, %dma_start3A_74] : memref<32x128xi32, #tpu.memory_space<vmem>> -> memref<1x128xi32, #tpu.memory_space<vmem>>
          %dma_start3A_76 = tpu.memref_squeeze %dma_start3A_75 : memref<1x128xi32, #tpu.memory_space<vmem>> -> memref<128xi32, #tpu.memory_space<vmem>>
          %dma_start3A_77 = arith.constant 0 : i32
          %dma_start3A_78 = arith.constant 0 : i32
          %dma_start3A_79 = tpu.memref_slice %arg2[%dma_start3A_77, %dma_start3A_78] : memref<20000x128xf32, #tpu.memory_space<hbm>> -> memref<20000x128xf32, #tpu.memory_space<hbm>>
          tpu.enqueue_indirect_dma source(%dma_start3A_79 : memref<20000x128xf32, #tpu.memory_space<hbm>>) target(%arg10 : memref<128x128xf32, #tpu.memory_space<vmem>>) offsets(%dma_start3A_76 : memref<128xi32, #tpu.memory_space<vmem>>) semaphore(%arg13 : memref<!tpu.dma_semaphore, #tpu.memory_space<semaphore_mem>>)
        } else {
        }
      }
      %scan3A_40 = arith.constant 16 : i32
    }
    %scan3A_10 = arith.constant 5 : i32
    %barrier3A_11 = arith.constant 0 : index
    tpu.barrier barrier_id(%barrier3A_11)
    %mul3A_12 = arith.constant 640 : i32
    %mul3A_13 = arith.muli %arg1, %mul3A_12 : i32
    %mul3A_14 = arith.constant 10240 : i32
    %mul3A_15 = arith.muli %arg0, %mul3A_14 : i32
    %mul3A_16 = arith.constant 640 : i32
    %mul3A_17 = arith.muli %arg1, %mul3A_16 : i32
    %add3A_18 = arith.addi %mul3A_15, %mul3A_17 : i32
    "tpu.region"() ({
      %run_scoped3A = tpu.sem_alloc : memref<!tpu.dma_semaphore, #tpu.memory_space<semaphore_mem>>
      %dma_start3A = arith.constant 0 : i32
      %dma_start3A_19 = tpu.memref_slice %arg6[%add3A_18, %dma_start3A] : memref<20480x128xf32, #tpu.memory_space<hbm>> -> memref<640x128xf32, #tpu.memory_space<hbm>>
      %dma_start3A_20 = arith.constant 0 : i32
      %dma_start3A_21 = tpu.memref_slice %arg11[%mul3A_13, %dma_start3A_20] : memref<10240x128xf32, #tpu.memory_space<vmem_shared>> -> memref<640x128xf32, #tpu.memory_space<vmem_shared>>
      tpu.enqueue_dma source(%dma_start3A_21 : memref<640x128xf32, #tpu.memory_space<vmem_shared>>) target(%dma_start3A_19 : memref<640x128xf32, #tpu.memory_space<hbm>>) target_semaphore(%run_scoped3A : memref<!tpu.dma_semaphore, #tpu.memory_space<semaphore_mem>>)
      %dma_wait3A = arith.constant 0 : i32
      %dma_wait3A_22 = tpu.memref_slice %arg6[%add3A_18, %dma_wait3A] : memref<20480x128xf32, #tpu.memory_space<hbm>> -> memref<640x128xf32, #tpu.memory_space<hbm>>
      %dma_wait3A_23 = arith.constant 0 : i32
      %dma_wait3A_24 = tpu.memref_slice %arg11[%mul3A_13, %dma_wait3A_23] : memref<10240x128xf32, #tpu.memory_space<vmem_shared>> -> memref<640x128xf32, #tpu.memory_space<vmem_shared>>
      tpu.wait_dma2 semaphore(%run_scoped3A : memref<!tpu.dma_semaphore, #tpu.memory_space<semaphore_mem>>) src(%dma_wait3A_24 : memref<640x128xf32, #tpu.memory_space<vmem_shared>>) dst(%dma_wait3A_22 : memref<640x128xf32, #tpu.memory_space<hbm>>)
      tpu.yield
    }) : () -> ()
    return
  }
}

module attributes {stable_mosaic.version = 14 : i64} {
  func.func @_embed_body(%arg0: i32, %arg1: i32, %arg2: memref<1x2000x8xf32, #tpu.memory_space<vmem>>, %arg3: memref<1x2000x16xf32, #tpu.memory_space<vmem>>, %arg4: memref<1x128x128xf32, #tpu.memory_space<vmem>>, %arg5: memref<1x8x128xf32, #tpu.memory_space<vmem>>, %arg6: memref<1x2000x128xf32, #tpu.memory_space<vmem>>) attributes {dimension_semantics = [#tpu.dimension_semantics<arbitrary>, #tpu.dimension_semantics<arbitrary>], iteration_bounds = array<i64: 2, 5>, scalar_prefetch = 0 : i64, scratch_operands = 0 : i64, tpu.core_type = #tpu.core_type<tc>, window_params = [{transform_indices = @transform_0, window_bounds = array<i64: 1, 2000, 8>}, {transform_indices = @transform_1, window_bounds = array<i64: 1, 2000, 16>}, {transform_indices = @transform_2, window_bounds = array<i64: 1, 128, 128>}, {transform_indices = @transform_3, window_bounds = array<i64: 1, 8, 128>}, {transform_indices = @transform_4, window_bounds = array<i64: 1, 2000, 128>}]} {
    %get3A = arith.constant 0 : index
    %get3A_0 = arith.constant 0 : index
    %get3A_1 = arith.constant 0 : index
    %get3A_2 = vector.load %arg2[%get3A, %get3A_0, %get3A_1] : memref<1x2000x8xf32, #tpu.memory_space<vmem>>, vector<1x2000x8xf32>
    %get3A_3 = vector.shape_cast %get3A_2 : vector<1x2000x8xf32> to vector<2000x8xf32>
    %iota3A = tpu.iota {dimensions = array<i32: 1>} : vector<1x128xi32>
    %convert_element_type3A = arith.sitofp %iota3A : vector<1x128xi32> to vector<1x128xf32>
    %slice3A = vector.extract_strided_slice %get3A_3 {offsets = [0, 0], sizes = [2000, 1], strides = [1, 1]} : vector<2000x8xf32> to vector<2000x1xf32>
    %eq3A = vector.broadcast %slice3A : vector<2000x1xf32> to vector<2000x128xf32>
    %eq3A_4 = vector.broadcast %convert_element_type3A : vector<1x128xf32> to vector<2000x128xf32>
    %eq3A_5 = arith.cmpf oeq, %eq3A, %eq3A_4 : vector<2000x128xf32>
    %jit3A = arith.constant 1.000000e+00 : f32
    %jit3A_6 = arith.constant 0.000000e+00 : f32
    %broadcast_in_dim3A = vector.broadcast %jit3A : f32 to vector<2000x128xf32>
    %broadcast_in_dim3A_7 = vector.broadcast %jit3A_6 : f32 to vector<2000x128xf32>
    %select_n3A = arith.select %eq3A_5, %broadcast_in_dim3A, %broadcast_in_dim3A_7 : vector<2000x128xi1>, vector<2000x128xf32>
    %get3A_8 = arith.constant 0 : index
    %get3A_9 = arith.constant 0 : index
    %get3A_10 = arith.constant 0 : index
    %get3A_11 = vector.load %arg4[%get3A_8, %get3A_9, %get3A_10] : memref<1x128x128xf32, #tpu.memory_space<vmem>>, vector<1x128x128xf32>
    %get3A_12 = vector.shape_cast %get3A_11 : vector<1x128x128xf32> to vector<128x128xf32>
    %dot_general3A = arith.constant dense<0.000000e+00> : vector<2000x128xf32>
    %dot_general3A_13 = tpu.matmul %select_n3A, %get3A_12, %dot_general3A {dimension_numbers = #tpu.dot_dimension_numbers<[1], [0], [0], [1], [0, 0, 1, 1], [], []>, transpose_lhs_hint = false} : vector<2000x128xf32>, vector<128x128xf32>, vector<2000x128xf32> -> vector<2000x128xf32>
    %get3A_14 = arith.constant 0 : index
    %get3A_15 = arith.constant 0 : index
    %get3A_16 = arith.constant 0 : index
    %get3A_17 = vector.load %arg5[%get3A_14, %get3A_15, %get3A_16] : memref<1x8x128xf32, #tpu.memory_space<vmem>>, vector<1x8x128xf32>
    %get3A_18 = vector.shape_cast %get3A_17 : vector<1x8x128xf32> to vector<8x128xf32>
    %dot_general3A_19 = arith.constant dense<0.000000e+00> : vector<2000x128xf32>
    %dot_general3A_20 = tpu.matmul %get3A_3, %get3A_18, %dot_general3A_19 {dimension_numbers = #tpu.dot_dimension_numbers<[1], [0], [0], [1], [0, 0, 1, 1], [], []>, transpose_lhs_hint = false} : vector<2000x8xf32>, vector<8x128xf32>, vector<2000x128xf32> -> vector<2000x128xf32>
    %add3A = arith.addf %dot_general3A_13, %dot_general3A_20 : vector<2000x128xf32>
    %get3A_21 = arith.constant 0 : index
    %get3A_22 = arith.constant 0 : index
    %get3A_23 = arith.constant 0 : index
    %get3A_24 = vector.load %arg3[%get3A_21, %get3A_22, %get3A_23] : memref<1x2000x16xf32, #tpu.memory_space<vmem>>, vector<1x2000x16xf32>
    %get3A_25 = vector.shape_cast %get3A_24 : vector<1x2000x16xf32> to vector<2000x16xf32>
    %reduce_sum3A = arith.constant dense<0.000000e+00> : vector<2000xf32>
    %reduce_sum3A_26 = vector.multi_reduction <add>, %get3A_25, %reduce_sum3A [1] : vector<2000x16xf32> to vector<2000xf32>
    %broadcast_in_dim3A_27 = vector.shape_cast %reduce_sum3A_26 : vector<2000xf32> to vector<2000x1xf32>
    %add3A_28 = arith.constant 1.000000e+00 : f32
    %add3A_29 = vector.broadcast %add3A_28 : f32 to vector<2000x1xf32>
    %add3A_30 = arith.addf %broadcast_in_dim3A_27, %add3A_29 : vector<2000x1xf32>
    %rsqrt3A = math.rsqrt %add3A_30 : vector<2000x1xf32>
    %mul3A = vector.broadcast %rsqrt3A : vector<2000x1xf32> to vector<2000x128xf32>
    %mul3A_31 = arith.mulf %add3A, %mul3A : vector<2000x128xf32>
    %swap3A = arith.constant 0 : index
    %swap3A_32 = arith.constant 0 : index
    %swap3A_33 = arith.constant 0 : index
    %swap3A_34 = vector.load %arg6[%swap3A, %swap3A_32, %swap3A_33] : memref<1x2000x128xf32, #tpu.memory_space<vmem>>, vector<1x2000x128xf32>
    %swap3A_35 = vector.shape_cast %swap3A_34 : vector<1x2000x128xf32> to vector<2000x128xf32>
    %swap3A_36 = vector.shape_cast %mul3A_31 : vector<2000x128xf32> to vector<1x2000x128xf32>
    tpu.vector_store %arg6[%swap3A, %swap3A_32, %swap3A_33], %swap3A_36 {strides = array<i32>} : memref<1x2000x128xf32, #tpu.memory_space<vmem>>, vector<1x2000x128xf32>,
    return
  }
  func.func @transform_0(%arg0: i32, %arg1: i32) -> (i32, i32, i32) {
    %c0_i32 = arith.constant 0 : i32
    %c0_i32_0 = arith.constant 0 : i32
    return %arg0, %arg1, %c0_i32 : i32, i32, i32
  }
  func.func @transform_1(%arg0: i32, %arg1: i32) -> (i32, i32, i32) {
    %c0_i32 = arith.constant 0 : i32
    %c0_i32_0 = arith.constant 0 : i32
    return %arg0, %arg1, %c0_i32 : i32, i32, i32
  }
  func.func @transform_2(%arg0: i32, %arg1: i32) -> (i32, i32, i32) {
    %c0_i32 = arith.constant 0 : i32
    %c0_i32_0 = arith.constant 0 : i32
    %c0_i32_1 = arith.constant 0 : i32
    return %arg0, %c0_i32, %c0_i32_0 : i32, i32, i32
  }
  func.func @transform_3(%arg0: i32, %arg1: i32) -> (i32, i32, i32) {
    %c0_i32 = arith.constant 0 : i32
    %c0_i32_0 = arith.constant 0 : i32
    %c0_i32_1 = arith.constant 0 : i32
    return %arg0, %c0_i32, %c0_i32_0 : i32, i32, i32
  }
  func.func @transform_4(%arg0: i32, %arg1: i32) -> (i32, i32, i32) {
    %c0_i32 = arith.constant 0 : i32
    %c0_i32_0 = arith.constant 0 : i32
    return %arg0, %arg1, %c0_i32 : i32, i32, i32
  }
}

module attributes {stable_mosaic.version = 14 : i64} {
  func.func @_mid_body(%arg0: i32, %arg1: i32, %arg2: memref<1x2000x8xf32, #tpu.memory_space<vmem>>, %arg3: memref<1x2000x16xf32, #tpu.memory_space<vmem>>, %arg4: memref<1x2000x128xf32, #tpu.memory_space<vmem>>, %arg5: memref<1x2000x128xf32, #tpu.memory_space<vmem>>, %arg6: memref<1x128x128xf32, #tpu.memory_space<vmem>>, %arg7: memref<1x1x128xf32, #tpu.memory_space<vmem>>, %arg8: memref<1x2000x128xf32, #tpu.memory_space<vmem>>) attributes {dimension_semantics = [#tpu.dimension_semantics<arbitrary>, #tpu.dimension_semantics<arbitrary>], iteration_bounds = array<i64: 2, 5>, scalar_prefetch = 0 : i64, scratch_operands = 0 : i64, tpu.core_type = #tpu.core_type<tc>, window_params = [{transform_indices = @transform_0, window_bounds = array<i64: 1, 2000, 8>}, {transform_indices = @transform_1, window_bounds = array<i64: 1, 2000, 16>}, {transform_indices = @transform_2, window_bounds = array<i64: 1, 2000, 128>}, {transform_indices = @transform_3, window_bounds = array<i64: 1, 2000, 128>}, {transform_indices = @transform_4, window_bounds = array<i64: 1, 128, 128>}, {transform_indices = @transform_5, window_bounds = array<i64: 1, 1, 128>}, {transform_indices = @transform_6, window_bounds = array<i64: 1, 2000, 128>}]} {
    %get3A = arith.constant 0 : index
    %get3A_0 = arith.constant 0 : index
    %get3A_1 = arith.constant 0 : index
    %get3A_2 = vector.load %arg3[%get3A, %get3A_0, %get3A_1] : memref<1x2000x16xf32, #tpu.memory_space<vmem>>, vector<1x2000x16xf32>
    %get3A_3 = vector.shape_cast %get3A_2 : vector<1x2000x16xf32> to vector<2000x16xf32>
    %reduce_sum3A = arith.constant dense<0.000000e+00> : vector<2000xf32>
    %reduce_sum3A_4 = vector.multi_reduction <add>, %get3A_3, %reduce_sum3A [1] : vector<2000x16xf32> to vector<2000xf32>
    %broadcast_in_dim3A = vector.shape_cast %reduce_sum3A_4 : vector<2000xf32> to vector<2000x1xf32>
    %add3A = arith.constant 1.000000e+00 : f32
    %add3A_5 = vector.broadcast %add3A : f32 to vector<2000x1xf32>
    %add3A_6 = arith.addf %broadcast_in_dim3A, %add3A_5 : vector<2000x1xf32>
    %rsqrt3A = math.rsqrt %add3A_6 : vector<2000x1xf32>
    %get3A_7 = arith.constant 0 : index
    %get3A_8 = arith.constant 0 : index
    %get3A_9 = arith.constant 0 : index
    %get3A_10 = vector.load %arg4[%get3A_7, %get3A_8, %get3A_9] : memref<1x2000x128xf32, #tpu.memory_space<vmem>>, vector<1x2000x128xf32>
    %get3A_11 = vector.shape_cast %get3A_10 : vector<1x2000x128xf32> to vector<2000x128xf32>
    %get3A_12 = arith.constant 0 : index
    %get3A_13 = arith.constant 0 : index
    %get3A_14 = arith.constant 0 : index
    %get3A_15 = vector.load %arg5[%get3A_12, %get3A_13, %get3A_14] : memref<1x2000x128xf32, #tpu.memory_space<vmem>>, vector<1x2000x128xf32>
    %get3A_16 = vector.shape_cast %get3A_15 : vector<1x2000x128xf32> to vector<2000x128xf32>
    %add3A_17 = arith.addf %get3A_11, %get3A_16 : vector<2000x128xf32>
    %mul3A = vector.broadcast %rsqrt3A : vector<2000x1xf32> to vector<2000x128xf32>
    %mul3A_18 = arith.mulf %mul3A, %add3A_17 : vector<2000x128xf32>
    %get3A_19 = arith.constant 0 : index
    %get3A_20 = arith.constant 0 : index
    %get3A_21 = arith.constant 0 : index
    %get3A_22 = vector.load %arg7[%get3A_19, %get3A_20, %get3A_21] : memref<1x1x128xf32, #tpu.memory_space<vmem>>, vector<1x1x128xf32>
    %get3A_23 = vector.shape_cast %get3A_22 : vector<1x1x128xf32> to vector<1x128xf32>
    %add3A_24 = vector.broadcast %get3A_23 : vector<1x128xf32> to vector<2000x128xf32>
    %add3A_25 = arith.addf %mul3A_18, %add3A_24 : vector<2000x128xf32>
    %max3A = arith.constant 0.000000e+00 : f32
    %max3A_26 = vector.broadcast %max3A : f32 to vector<2000x128xf32>
    %max3A_27 = arith.maximumf %add3A_25, %max3A_26 : vector<2000x128xf32>
    %get3A_28 = arith.constant 0 : index
    %get3A_29 = arith.constant 0 : index
    %get3A_30 = arith.constant 0 : index
    %get3A_31 = vector.load %arg6[%get3A_28, %get3A_29, %get3A_30] : memref<1x128x128xf32, #tpu.memory_space<vmem>>, vector<1x128x128xf32>
    %get3A_32 = vector.shape_cast %get3A_31 : vector<1x128x128xf32> to vector<128x128xf32>
    %dot_general3A = arith.constant dense<0.000000e+00> : vector<2000x128xf32>
    %dot_general3A_33 = tpu.matmul %max3A_27, %get3A_32, %dot_general3A {dimension_numbers = #tpu.dot_dimension_numbers<[1], [0], [0], [1], [0, 0, 1, 1], [], []>, transpose_lhs_hint = false} : vector<2000x128xf32>, vector<128x128xf32>, vector<2000x128xf32> -> vector<2000x128xf32>
    %mul3A_34 = vector.broadcast %rsqrt3A : vector<2000x1xf32> to vector<2000x128xf32>
    %mul3A_35 = arith.mulf %dot_general3A_33, %mul3A_34 : vector<2000x128xf32>
    %swap3A = arith.constant 0 : index
    %swap3A_36 = arith.constant 0 : index
    %swap3A_37 = arith.constant 0 : index
    %swap3A_38 = vector.load %arg8[%swap3A, %swap3A_36, %swap3A_37] : memref<1x2000x128xf32, #tpu.memory_space<vmem>>, vector<1x2000x128xf32>
    %swap3A_39 = vector.shape_cast %swap3A_38 : vector<1x2000x128xf32> to vector<2000x128xf32>
    %swap3A_40 = vector.shape_cast %mul3A_35 : vector<2000x128xf32> to vector<1x2000x128xf32>
    tpu.vector_store %arg8[%swap3A, %swap3A_36, %swap3A_37], %swap3A_40 {strides = array<i32>} : memref<1x2000x128xf32, #tpu.memory_space<vmem>>, vector<1x2000x128xf32>,
    return
  }
  func.func @transform_0(%arg0: i32, %arg1: i32) -> (i32, i32, i32) {
    %c0_i32 = arith.constant 0 : i32
    %c0_i32_0 = arith.constant 0 : i32
    return %arg0, %arg1, %c0_i32 : i32, i32, i32
  }
  func.func @transform_1(%arg0: i32, %arg1: i32) -> (i32, i32, i32) {
    %c0_i32 = arith.constant 0 : i32
    %c0_i32_0 = arith.constant 0 : i32
    return %arg0, %arg1, %c0_i32 : i32, i32, i32
  }
  func.func @transform_2(%arg0: i32, %arg1: i32) -> (i32, i32, i32) {
    %c0_i32 = arith.constant 0 : i32
    %c0_i32_0 = arith.constant 0 : i32
    return %arg0, %arg1, %c0_i32 : i32, i32, i32
  }
  func.func @transform_3(%arg0: i32, %arg1: i32) -> (i32, i32, i32) {
    %c0_i32 = arith.constant 0 : i32
    %c0_i32_0 = arith.constant 0 : i32
    return %arg0, %arg1, %c0_i32 : i32, i32, i32
  }
  func.func @transform_4(%arg0: i32, %arg1: i32) -> (i32, i32, i32) {
    %c0_i32 = arith.constant 0 : i32
    %c0_i32_0 = arith.constant 0 : i32
    %c0_i32_1 = arith.constant 0 : i32
    return %arg0, %c0_i32, %c0_i32_0 : i32, i32, i32
  }
  func.func @transform_5(%arg0: i32, %arg1: i32) -> (i32, i32, i32) {
    %c0_i32 = arith.constant 0 : i32
    %c0_i32_0 = arith.constant 0 : i32
    %c0_i32_1 = arith.constant 0 : i32
    return %arg0, %c0_i32, %c0_i32_0 : i32, i32, i32
  }
  func.func @transform_6(%arg0: i32, %arg1: i32) -> (i32, i32, i32) {
    %c0_i32 = arith.constant 0 : i32
    %c0_i32_0 = arith.constant 0 : i32
    return %arg0, %arg1, %c0_i32 : i32, i32, i32
  }
}

module attributes {stable_mosaic.version = 14 : i64} {
  func.func @_final_body(%arg0: i32, %arg1: i32, %arg2: memref<1x2000x8xf32, #tpu.memory_space<vmem>>, %arg3: memref<1x2000x16xf32, #tpu.memory_space<vmem>>, %arg4: memref<1x2000x128xf32, #tpu.memory_space<vmem>>, %arg5: memref<1x2000x128xf32, #tpu.memory_space<vmem>>, %arg6: memref<1x1x128xf32, #tpu.memory_space<vmem>>, %arg7: memref<1x2000x128xf32, #tpu.memory_space<vmem>>, %arg8: memref<1x64x128xf32, #tpu.memory_space<vmem>>, %arg9: memref<1x64x128xf32, #tpu.memory_space<vmem>>) attributes {dimension_semantics = [#tpu.dimension_semantics<arbitrary>, #tpu.dimension_semantics<arbitrary>], iteration_bounds = array<i64: 2, 5>, scalar_prefetch = 0 : i64, scratch_operands = 0 : i64, tpu.core_type = #tpu.core_type<tc>, window_params = [{transform_indices = @transform_0, window_bounds = array<i64: 1, 2000, 8>}, {transform_indices = @transform_1, window_bounds = array<i64: 1, 2000, 16>}, {transform_indices = @transform_2, window_bounds = array<i64: 1, 2000, 128>}, {transform_indices = @transform_3, window_bounds = array<i64: 1, 2000, 128>}, {transform_indices = @transform_4, window_bounds = array<i64: 1, 1, 128>}, {transform_indices = @transform_5, window_bounds = array<i64: 1, 2000, 128>}, {transform_indices = @transform_6, window_bounds = array<i64: 1, 64, 128>}, {transform_indices = @transform_7, window_bounds = array<i64: 1, 64, 128>}]} {
    %get3A = arith.constant 0 : index
    %get3A_0 = arith.constant 0 : index
    %get3A_1 = arith.constant 0 : index
    %get3A_2 = vector.load %arg2[%get3A, %get3A_0, %get3A_1] : memref<1x2000x8xf32, #tpu.memory_space<vmem>>, vector<1x2000x8xf32>
    %get3A_3 = vector.shape_cast %get3A_2 : vector<1x2000x8xf32> to vector<2000x8xf32>
    %get3A_4 = arith.constant 0 : index
    %get3A_5 = arith.constant 0 : index
    %get3A_6 = arith.constant 0 : index
    %get3A_7 = vector.load %arg3[%get3A_4, %get3A_5, %get3A_6] : memref<1x2000x16xf32, #tpu.memory_space<vmem>>, vector<1x2000x16xf32>
    %get3A_8 = vector.shape_cast %get3A_7 : vector<1x2000x16xf32> to vector<2000x16xf32>
    %reduce_sum3A = arith.constant dense<0.000000e+00> : vector<2000xf32>
    %reduce_sum3A_9 = vector.multi_reduction <add>, %get3A_8, %reduce_sum3A [1] : vector<2000x16xf32> to vector<2000xf32>
    %broadcast_in_dim3A = vector.shape_cast %reduce_sum3A_9 : vector<2000xf32> to vector<2000x1xf32>
    %add3A = arith.constant 1.000000e+00 : f32
    %add3A_10 = vector.broadcast %add3A : f32 to vector<2000x1xf32>
    %add3A_11 = arith.addf %broadcast_in_dim3A, %add3A_10 : vector<2000x1xf32>
    %rsqrt3A = math.rsqrt %add3A_11 : vector<2000x1xf32>
    %get3A_12 = arith.constant 0 : index
    %get3A_13 = arith.constant 0 : index
    %get3A_14 = arith.constant 0 : index
    %get3A_15 = vector.load %arg4[%get3A_12, %get3A_13, %get3A_14] : memref<1x2000x128xf32, #tpu.memory_space<vmem>>, vector<1x2000x128xf32>
    %get3A_16 = vector.shape_cast %get3A_15 : vector<1x2000x128xf32> to vector<2000x128xf32>
    %get3A_17 = arith.constant 0 : index
    %get3A_18 = arith.constant 0 : index
    %get3A_19 = arith.constant 0 : index
    %get3A_20 = vector.load %arg5[%get3A_17, %get3A_18, %get3A_19] : memref<1x2000x128xf32, #tpu.memory_space<vmem>>, vector<1x2000x128xf32>
    %get3A_21 = vector.shape_cast %get3A_20 : vector<1x2000x128xf32> to vector<2000x128xf32>
    %add3A_22 = arith.addf %get3A_16, %get3A_21 : vector<2000x128xf32>
    %mul3A = vector.broadcast %rsqrt3A : vector<2000x1xf32> to vector<2000x128xf32>
    %mul3A_23 = arith.mulf %mul3A, %add3A_22 : vector<2000x128xf32>
    %get3A_24 = arith.constant 0 : index
    %get3A_25 = arith.constant 0 : index
    %get3A_26 = arith.constant 0 : index
    %get3A_27 = vector.load %arg6[%get3A_24, %get3A_25, %get3A_26] : memref<1x1x128xf32, #tpu.memory_space<vmem>>, vector<1x1x128xf32>
    %get3A_28 = vector.shape_cast %get3A_27 : vector<1x1x128xf32> to vector<1x128xf32>
    %add3A_29 = vector.broadcast %get3A_28 : vector<1x128xf32> to vector<2000x128xf32>
    %add3A_30 = arith.addf %mul3A_23, %add3A_29 : vector<2000x128xf32>
    %max3A = arith.constant 0.000000e+00 : f32
    %max3A_31 = vector.broadcast %max3A : f32 to vector<2000x128xf32>
    %max3A_32 = arith.maximumf %add3A_30, %max3A_31 : vector<2000x128xf32>
    %swap3A = arith.constant 0 : index
    %swap3A_33 = arith.constant 0 : index
    %swap3A_34 = arith.constant 0 : index
    %swap3A_35 = vector.load %arg7[%swap3A, %swap3A_33, %swap3A_34] : memref<1x2000x128xf32, #tpu.memory_space<vmem>>, vector<1x2000x128xf32>
    %swap3A_36 = vector.shape_cast %swap3A_35 : vector<1x2000x128xf32> to vector<2000x128xf32>
    %swap3A_37 = vector.shape_cast %max3A_32 : vector<2000x128xf32> to vector<1x2000x128xf32>
    tpu.vector_store %arg7[%swap3A, %swap3A_33, %swap3A_34], %swap3A_37 {strides = array<i32>} : memref<1x2000x128xf32, #tpu.memory_space<vmem>>, vector<1x2000x128xf32>,
    %iota3A = tpu.iota {dimensions = array<i32: 1>} : vector<1x64xi32>
    %convert_element_type3A = arith.sitofp %iota3A : vector<1x64xi32> to vector<1x64xf32>
    %slice3A = vector.extract_strided_slice %get3A_3 {offsets = [0, 4], sizes = [2000, 1], strides = [1, 1]} : vector<2000x8xf32> to vector<2000x1xf32>
    %eq3A = vector.broadcast %slice3A : vector<2000x1xf32> to vector<2000x64xf32>
    %eq3A_38 = vector.broadcast %convert_element_type3A : vector<1x64xf32> to vector<2000x64xf32>
    %eq3A_39 = arith.cmpf oeq, %eq3A, %eq3A_38 : vector<2000x64xf32>
    %jit3A = arith.constant 1.000000e+00 : f32
    %jit3A_40 = arith.constant 0.000000e+00 : f32
    %broadcast_in_dim3A_41 = vector.broadcast %jit3A : f32 to vector<2000x64xf32>
    %broadcast_in_dim3A_42 = vector.broadcast %jit3A_40 : f32 to vector<2000x64xf32>
    %select_n3A = arith.select %eq3A_39, %broadcast_in_dim3A_41, %broadcast_in_dim3A_42 : vector<2000x64xi1>, vector<2000x64xf32>
    %dot_general3A = arith.constant dense<0.000000e+00> : vector<64x128xf32>
    %dot_general3A_43 = tpu.matmul %select_n3A, %max3A_32, %dot_general3A {dimension_numbers = #tpu.dot_dimension_numbers<[0], [0], [1], [1], [0, 1, 1, 1], [], []>, transpose_lhs_hint = false} : vector<2000x64xf32>, vector<2000x128xf32>, vector<64x128xf32> -> vector<64x128xf32>
    %reduce_sum3A_44 = arith.constant dense<0.000000e+00> : vector<64xf32>
    %reduce_sum3A_45 = vector.multi_reduction <add>, %select_n3A, %reduce_sum3A_44 [0] : vector<2000x64xf32> to vector<64xf32>
    %broadcast_in_dim3A_46 = vector.shape_cast %reduce_sum3A_45 : vector<64xf32> to vector<64x1xf32>
    %eq3A_47 = arith.constant 0 : i32
    %eq3A_48 = arith.cmpi eq, %arg1, %eq3A_47 : i32
    %convert_element_type3A_49 = arith.extui %eq3A_48 : i1 to i32
    %cond3A = arith.constant 0 : i32
    %cond3A_50 = arith.cmpi ne, %convert_element_type3A_49, %cond3A : i32
    scf.if %cond3A_50 {
      %broadcast_in_dim3A_77 = arith.constant 0.000000e+00 : f32
      %broadcast_in_dim3A_78 = vector.broadcast %broadcast_in_dim3A_77 : f32 to vector<64x128xf32>
      %swap3A_79 = arith.constant 0 : index
      %swap3A_80 = arith.constant 0 : index
      %swap3A_81 = arith.constant 0 : index
      %swap3A_82 = vector.load %arg8[%swap3A_79, %swap3A_80, %swap3A_81] : memref<1x64x128xf32, #tpu.memory_space<vmem>>, vector<1x64x128xf32>
      %swap3A_83 = vector.shape_cast %swap3A_82 : vector<1x64x128xf32> to vector<64x128xf32>
      %swap3A_84 = vector.shape_cast %broadcast_in_dim3A_78 : vector<64x128xf32> to vector<1x64x128xf32>
      tpu.vector_store %arg8[%swap3A_79, %swap3A_80, %swap3A_81], %swap3A_84 {strides = array<i32>} : memref<1x64x128xf32, #tpu.memory_space<vmem>>, vector<1x64x128xf32>,
      %broadcast_in_dim3A_85 = arith.constant 0.000000e+00 : f32
      %broadcast_in_dim3A_86 = vector.broadcast %broadcast_in_dim3A_85 : f32 to vector<64x128xf32>
      %swap3A_87 = arith.constant 0 : index
      %swap3A_88 = arith.constant 0 : index
      %swap3A_89 = arith.constant 0 : index
      %swap3A_90 = vector.load %arg9[%swap3A_87, %swap3A_88, %swap3A_89] : memref<1x64x128xf32, #tpu.memory_space<vmem>>, vector<1x64x128xf32>
      %swap3A_91 = vector.shape_cast %swap3A_90 : vector<1x64x128xf32> to vector<64x128xf32>
      %swap3A_92 = vector.shape_cast %broadcast_in_dim3A_86 : vector<64x128xf32> to vector<1x64x128xf32>
      tpu.vector_store %arg9[%swap3A_87, %swap3A_88, %swap3A_89], %swap3A_92 {strides = array<i32>} : memref<1x64x128xf32, #tpu.memory_space<vmem>>, vector<1x64x128xf32>,
    } else {
    }
    %get3A_51 = arith.constant 0 : index
    %get3A_52 = arith.constant 0 : index
    %get3A_53 = arith.constant 0 : index
    %get3A_54 = vector.load %arg8[%get3A_51, %get3A_52, %get3A_53] : memref<1x64x128xf32, #tpu.memory_space<vmem>>, vector<1x64x128xf32>
    %get3A_55 = vector.shape_cast %get3A_54 : vector<1x64x128xf32> to vector<64x128xf32>
    %add3A_56 = arith.addf %get3A_55, %dot_general3A_43 : vector<64x128xf32>
    %swap3A_57 = arith.constant 0 : index
    %swap3A_58 = arith.constant 0 : index
    %swap3A_59 = arith.constant 0 : index
    %swap3A_60 = vector.load %arg8[%swap3A_57, %swap3A_58, %swap3A_59] : memref<1x64x128xf32, #tpu.memory_space<vmem>>, vector<1x64x128xf32>
    %swap3A_61 = vector.shape_cast %swap3A_60 : vector<1x64x128xf32> to vector<64x128xf32>
    %swap3A_62 = vector.shape_cast %add3A_56 : vector<64x128xf32> to vector<1x64x128xf32>
    tpu.vector_store %arg8[%swap3A_57, %swap3A_58, %swap3A_59], %swap3A_62 {strides = array<i32>} : memref<1x64x128xf32, #tpu.memory_space<vmem>>, vector<1x64x128xf32>,
    %get3A_63 = arith.constant 0 : index
    %get3A_64 = arith.constant 0 : index
    %get3A_65 = arith.constant 0 : index
    %get3A_66 = vector.load %arg9[%get3A_63, %get3A_64, %get3A_65] : memref<1x64x128xf32, #tpu.memory_space<vmem>>, vector<1x64x128xf32>
    %get3A_67 = vector.shape_cast %get3A_66 : vector<1x64x128xf32> to vector<64x128xf32>
    %broadcast_in_dim3A_68 = vector.shape_cast %broadcast_in_dim3A_46 : vector<64x1xf32> to vector<64x1xf32>
    %broadcast_in_dim3A_69 = vector.broadcast %broadcast_in_dim3A_68 : vector<64x1xf32> to vector<64x128xf32>
    %add3A_70 = arith.addf %get3A_67, %broadcast_in_dim3A_69 : vector<64x128xf32>
    %swap3A_71 = arith.constant 0 : index
    %swap3A_72 = arith.constant 0 : index
    %swap3A_73 = arith.constant 0 : index
    %swap3A_74 = vector.load %arg9[%swap3A_71, %swap3A_72, %swap3A_73] : memref<1x64x128xf32, #tpu.memory_space<vmem>>, vector<1x64x128xf32>
    %swap3A_75 = vector.shape_cast %swap3A_74 : vector<1x64x128xf32> to vector<64x128xf32>
    %swap3A_76 = vector.shape_cast %add3A_70 : vector<64x128xf32> to vector<1x64x128xf32>
    tpu.vector_store %arg9[%swap3A_71, %swap3A_72, %swap3A_73], %swap3A_76 {strides = array<i32>} : memref<1x64x128xf32, #tpu.memory_space<vmem>>, vector<1x64x128xf32>,
    return
  }
  func.func @transform_0(%arg0: i32, %arg1: i32) -> (i32, i32, i32) {
    %c0_i32 = arith.constant 0 : i32
    %c0_i32_0 = arith.constant 0 : i32
    return %arg0, %arg1, %c0_i32 : i32, i32, i32
  }
  func.func @transform_1(%arg0: i32, %arg1: i32) -> (i32, i32, i32) {
    %c0_i32 = arith.constant 0 : i32
    %c0_i32_0 = arith.constant 0 : i32
    return %arg0, %arg1, %c0_i32 : i32, i32, i32
  }
  func.func @transform_2(%arg0: i32, %arg1: i32) -> (i32, i32, i32) {
    %c0_i32 = arith.constant 0 : i32
    %c0_i32_0 = arith.constant 0 : i32
    return %arg0, %arg1, %c0_i32 : i32, i32, i32
  }
  func.func @transform_3(%arg0: i32, %arg1: i32) -> (i32, i32, i32) {
    %c0_i32 = arith.constant 0 : i32
    %c0_i32_0 = arith.constant 0 : i32
    return %arg0, %arg1, %c0_i32 : i32, i32, i32
  }
  func.func @transform_4(%arg0: i32, %arg1: i32) -> (i32, i32, i32) {
    %c0_i32 = arith.constant 0 : i32
    %c0_i32_0 = arith.constant 0 : i32
    %c0_i32_1 = arith.constant 0 : i32
    return %arg0, %c0_i32, %c0_i32_0 : i32, i32, i32
  }
  func.func @transform_5(%arg0: i32, %arg1: i32) -> (i32, i32, i32) {
    %c0_i32 = arith.constant 0 : i32
    %c0_i32_0 = arith.constant 0 : i32
    return %arg0, %arg1, %c0_i32 : i32, i32, i32
  }
  func.func @transform_6(%arg0: i32, %arg1: i32) -> (i32, i32, i32) {
    %c0_i32 = arith.constant 0 : i32
    %c0_i32_0 = arith.constant 0 : i32
    %c0_i32_1 = arith.constant 0 : i32
    return %arg0, %c0_i32, %c0_i32_0 : i32, i32, i32
  }
  func.func @transform_7(%arg0: i32, %arg1: i32) -> (i32, i32, i32) {
    %c0_i32 = arith.constant 0 : i32
    %c0_i32_0 = arith.constant 0 : i32
    %c0_i32_1 = arith.constant 0 : i32
    return %arg0, %c0_i32, %c0_i32_0 : i32, i32, i32
  }
}

module attributes {stable_mosaic.version = 14 : i64} {
  func.func @_mlp_body(%arg0: i32, %arg1: memref<1x2000x8xf32, #tpu.memory_space<vmem>>, %arg2: memref<1x2000x128xf32, #tpu.memory_space<vmem>>, %arg3: memref<1x64x128xf32, #tpu.memory_space<vmem>>, %arg4: memref<1x64x128xf32, #tpu.memory_space<vmem>>, %arg5: memref<128x128xf32, #tpu.memory_space<vmem>>, %arg6: memref<128x128xf32, #tpu.memory_space<vmem>>, %arg7: memref<1x128xf32, #tpu.memory_space<vmem>>, %arg8: memref<128x128xf32, #tpu.memory_space<vmem>>, %arg9: memref<1x128xf32, #tpu.memory_space<vmem>>, %arg10: memref<2000x128xf32, #tpu.memory_space<vmem>>) attributes {dimension_semantics = [#tpu.dimension_semantics<arbitrary>], iteration_bounds = array<i64: 5>, scalar_prefetch = 0 : i64, scratch_operands = 0 : i64, tpu.core_type = #tpu.core_type<tc>, window_params = [{transform_indices = @transform_0, window_bounds = array<i64: 1, 2000, 8>}, {transform_indices = @transform_1, window_bounds = array<i64: 1, 2000, 128>}, {transform_indices = @transform_2, window_bounds = array<i64: 1, 64, 128>}, {transform_indices = @transform_3, window_bounds = array<i64: 1, 64, 128>}, {pipeline_mode = #tpu.pipeline_mode<synchronous>, transform_indices = @transform_4, window_bounds = array<i64: 128, 128>}, {pipeline_mode = #tpu.pipeline_mode<synchronous>, transform_indices = @transform_5, window_bounds = array<i64: 128, 128>}, {pipeline_mode = #tpu.pipeline_mode<synchronous>, transform_indices = @transform_6, window_bounds = array<i64: 1, 128>}, {pipeline_mode = #tpu.pipeline_mode<synchronous>, transform_indices = @transform_7, window_bounds = array<i64: 128, 128>}, {pipeline_mode = #tpu.pipeline_mode<synchronous>, transform_indices = @transform_8, window_bounds = array<i64: 1, 128>}, {transform_indices = @transform_9, window_bounds = array<i64: 2000, 128>}]} {
    %get3A = arith.constant 0 : index
    %get3A_0 = arith.constant 0 : index
    %get3A_1 = arith.constant 0 : index
    %get3A_2 = vector.load %arg1[%get3A, %get3A_0, %get3A_1] : memref<1x2000x8xf32, #tpu.memory_space<vmem>>, vector<1x2000x8xf32>
    %get3A_3 = vector.shape_cast %get3A_2 : vector<1x2000x8xf32> to vector<2000x8xf32>
    %get3A_4 = arith.constant 0 : index
    %get3A_5 = arith.constant 0 : index
    %get3A_6 = arith.constant 0 : index
    %get3A_7 = vector.load %arg3[%get3A_4, %get3A_5, %get3A_6] : memref<1x64x128xf32, #tpu.memory_space<vmem>>, vector<1x64x128xf32>
    %get3A_8 = vector.shape_cast %get3A_7 : vector<1x64x128xf32> to vector<64x128xf32>
    %get3A_9 = arith.constant 0 : index
    %get3A_10 = arith.constant 0 : index
    %get3A_11 = arith.constant 0 : index
    %get3A_12 = vector.load %arg4[%get3A_9, %get3A_10, %get3A_11] : memref<1x64x128xf32, #tpu.memory_space<vmem>>, vector<1x64x128xf32>
    %get3A_13 = vector.shape_cast %get3A_12 : vector<1x64x128xf32> to vector<64x128xf32>
    %max3A = arith.constant 1.000000e+00 : f32
    %max3A_14 = vector.broadcast %max3A : f32 to vector<64x128xf32>
    %max3A_15 = arith.maximumf %get3A_13, %max3A_14 : vector<64x128xf32>
    %div3A = arith.divf %get3A_8, %max3A_15 : vector<64x128xf32>
    %get3A_16 = arith.constant 0 : index
    %get3A_17 = arith.constant 0 : index
    %get3A_18 = vector.load %arg6[%get3A_16, %get3A_17] : memref<128x128xf32, #tpu.memory_space<vmem>>, vector<128x128xf32>
    %dot_general3A = arith.constant dense<0.000000e+00> : vector<64x128xf32>
    %dot_general3A_19 = tpu.matmul %div3A, %get3A_18, %dot_general3A {dimension_numbers = #tpu.dot_dimension_numbers<[1], [0], [0], [1], [0, 0, 1, 1], [], []>, transpose_lhs_hint = false} : vector<64x128xf32>, vector<128x128xf32>, vector<64x128xf32> -> vector<64x128xf32>
    %iota3A = tpu.iota {dimensions = array<i32: 1>} : vector<1x64xi32>
    %convert_element_type3A = arith.sitofp %iota3A : vector<1x64xi32> to vector<1x64xf32>
    %slice3A = vector.extract_strided_slice %get3A_3 {offsets = [0, 4], sizes = [2000, 1], strides = [1, 1]} : vector<2000x8xf32> to vector<2000x1xf32>
    %eq3A = vector.broadcast %slice3A : vector<2000x1xf32> to vector<2000x64xf32>
    %eq3A_20 = vector.broadcast %convert_element_type3A : vector<1x64xf32> to vector<2000x64xf32>
    %eq3A_21 = arith.cmpf oeq, %eq3A, %eq3A_20 : vector<2000x64xf32>
    %jit3A = arith.constant 1.000000e+00 : f32
    %jit3A_22 = arith.constant 0.000000e+00 : f32
    %broadcast_in_dim3A = vector.broadcast %jit3A : f32 to vector<2000x64xf32>
    %broadcast_in_dim3A_23 = vector.broadcast %jit3A_22 : f32 to vector<2000x64xf32>
    %select_n3A = arith.select %eq3A_21, %broadcast_in_dim3A, %broadcast_in_dim3A_23 : vector<2000x64xi1>, vector<2000x64xf32>
    %get3A_24 = arith.constant 0 : index
    %get3A_25 = arith.constant 0 : index
    %get3A_26 = arith.constant 0 : index
    %get3A_27 = vector.load %arg2[%get3A_24, %get3A_25, %get3A_26] : memref<1x2000x128xf32, #tpu.memory_space<vmem>>, vector<1x2000x128xf32>
    %get3A_28 = vector.shape_cast %get3A_27 : vector<1x2000x128xf32> to vector<2000x128xf32>
    %get3A_29 = arith.constant 0 : index
    %get3A_30 = arith.constant 0 : index
    %get3A_31 = vector.load %arg5[%get3A_29, %get3A_30] : memref<128x128xf32, #tpu.memory_space<vmem>>, vector<128x128xf32>
    %dot_general3A_32 = arith.constant dense<0.000000e+00> : vector<2000x128xf32>
    %dot_general3A_33 = tpu.matmul %get3A_28, %get3A_31, %dot_general3A_32 {dimension_numbers = #tpu.dot_dimension_numbers<[1], [0], [0], [1], [0, 0, 1, 1], [], []>, transpose_lhs_hint = false} : vector<2000x128xf32>, vector<128x128xf32>, vector<2000x128xf32> -> vector<2000x128xf32>
    %dot_general3A_34 = arith.constant dense<0.000000e+00> : vector<2000x128xf32>
    %dot_general3A_35 = tpu.matmul %select_n3A, %dot_general3A_19, %dot_general3A_34 {dimension_numbers = #tpu.dot_dimension_numbers<[1], [0], [0], [1], [0, 0, 1, 1], [], []>, transpose_lhs_hint = false} : vector<2000x64xf32>, vector<64x128xf32>, vector<2000x128xf32> -> vector<2000x128xf32>
    %add3A = arith.addf %dot_general3A_33, %dot_general3A_35 : vector<2000x128xf32>
    %get3A_36 = arith.constant 0 : index
    %get3A_37 = arith.constant 0 : index
    %get3A_38 = vector.load %arg7[%get3A_36, %get3A_37] : memref<1x128xf32, #tpu.memory_space<vmem>>, vector<1x128xf32>
    %add3A_39 = vector.broadcast %get3A_38 : vector<1x128xf32> to vector<2000x128xf32>
    %add3A_40 = arith.addf %add3A, %add3A_39 : vector<2000x128xf32>
    %max3A_41 = arith.constant 0.000000e+00 : f32
    %max3A_42 = vector.broadcast %max3A_41 : f32 to vector<2000x128xf32>
    %max3A_43 = arith.maximumf %add3A_40, %max3A_42 : vector<2000x128xf32>
    %get3A_44 = arith.constant 0 : index
    %get3A_45 = arith.constant 0 : index
    %get3A_46 = vector.load %arg8[%get3A_44, %get3A_45] : memref<128x128xf32, #tpu.memory_space<vmem>>, vector<128x128xf32>
    %dot_general3A_47 = arith.constant dense<0.000000e+00> : vector<2000x128xf32>
    %dot_general3A_48 = tpu.matmul %max3A_43, %get3A_46, %dot_general3A_47 {dimension_numbers = #tpu.dot_dimension_numbers<[1], [0], [0], [1], [0, 0, 1, 1], [], []>, transpose_lhs_hint = false} : vector<2000x128xf32>, vector<128x128xf32>, vector<2000x128xf32> -> vector<2000x128xf32>
    %get3A_49 = arith.constant 0 : index
    %get3A_50 = arith.constant 0 : index
    %get3A_51 = vector.load %arg9[%get3A_49, %get3A_50] : memref<1x128xf32, #tpu.memory_space<vmem>>, vector<1x128xf32>
    %add3A_52 = vector.broadcast %get3A_51 : vector<1x128xf32> to vector<2000x128xf32>
    %add3A_53 = arith.addf %dot_general3A_48, %add3A_52 : vector<2000x128xf32>
    %swap3A = arith.constant 0 : index
    %swap3A_54 = arith.constant 0 : index
    %swap3A_55 = vector.load %arg10[%swap3A, %swap3A_54] : memref<2000x128xf32, #tpu.memory_space<vmem>>, vector<2000x128xf32>
    tpu.vector_store %arg10[%swap3A, %swap3A_54], %add3A_53 {strides = array<i32>} : memref<2000x128xf32, #tpu.memory_space<vmem>>, vector<2000x128xf32>,
    return
  }
  func.func @transform_0(%arg0: i32) -> (i32, i32, i32) {
    %c1_i32 = arith.constant 1 : i32
    %c0_i32 = arith.constant 0 : i32
    %c0_i32_0 = arith.constant 0 : i32
    return %c1_i32, %arg0, %c0_i32 : i32, i32, i32
  }
  func.func @transform_1(%arg0: i32) -> (i32, i32, i32) {
    %c1_i32 = arith.constant 1 : i32
    %c0_i32 = arith.constant 0 : i32
    %c0_i32_0 = arith.constant 0 : i32
    return %c1_i32, %arg0, %c0_i32 : i32, i32, i32
  }
  func.func @transform_2(%arg0: i32) -> (i32, i32, i32) {
    %c0_i32 = arith.constant 0 : i32
    %c0_i32_0 = arith.constant 0 : i32
    %c0_i32_1 = arith.constant 0 : i32
    %c0_i32_2 = arith.constant 0 : i32
    return %c0_i32, %c0_i32_0, %c0_i32_1 : i32, i32, i32
  }
  func.func @transform_3(%arg0: i32) -> (i32, i32, i32) {
    %c0_i32 = arith.constant 0 : i32
    %c0_i32_0 = arith.constant 0 : i32
    %c0_i32_1 = arith.constant 0 : i32
    %c0_i32_2 = arith.constant 0 : i32
    return %c0_i32, %c0_i32_0, %c0_i32_1 : i32, i32, i32
  }
  func.func @transform_4(%arg0: i32) -> (i32, i32) {
    %c0_i32 = arith.constant 0 : i32
    %c0_i32_0 = arith.constant 0 : i32
    %c0_i32_1 = arith.constant 0 : i32
    return %c0_i32, %c0_i32_0 : i32, i32
  }
  func.func @transform_5(%arg0: i32) -> (i32, i32) {
    %c0_i32 = arith.constant 0 : i32
    %c0_i32_0 = arith.constant 0 : i32
    %c0_i32_1 = arith.constant 0 : i32
    return %c0_i32, %c0_i32_0 : i32, i32
  }
  func.func @transform_6(%arg0: i32) -> (i32, i32) {
    %c0_i32 = arith.constant 0 : i32
    %c0_i32_0 = arith.constant 0 : i32
    %c0_i32_1 = arith.constant 0 : i32
    return %c0_i32, %c0_i32_0 : i32, i32
  }
  func.func @transform_7(%arg0: i32) -> (i32, i32) {
    %c0_i32 = arith.constant 0 : i32
    %c0_i32_0 = arith.constant 0 : i32
    %c0_i32_1 = arith.constant 0 : i32
    return %c0_i32, %c0_i32_0 : i32, i32
  }
  func.func @transform_8(%arg0: i32) -> (i32, i32) {
    %c0_i32 = arith.constant 0 : i32
    %c0_i32_0 = arith.constant 0 : i32
    %c0_i32_1 = arith.constant 0 : i32
    return %c0_i32, %c0_i32_0 : i32, i32
  }
  func.func @transform_9(%arg0: i32) -> (i32, i32) {
    %c0_i32 = arith.constant 0 : i32
    %c0_i32_0 = arith.constant 0 : i32
    return %arg0, %c0_i32 : i32, i32
  }
}

</mosaic_0001>

<sc_bundles>
// kernel: kernel.12.cloned.1.call-start
scs
__scs_entry_jumppad:
0x0: {  	(pc) =	sbr.rel $0x88, $3  }
0x1: {  	(tag) =	ssettag $0x0;
	lr =	simm.s32 $0x1  }
0x2: {  	[smem:$0x3F8D] =	sst lr;
	_ =	strace $0xD0000000  }
0x3: {  	_ = 	snop  }
0x4: {  	_ = 	snop  }
0x5: {  	_ = 	snop  }
0x6: {  	_ = 	snop  }
0x7: {  	_ = 	snop  }
__scs_overlays_trampoline_lowered:
0x8: {  	[smem:$0x3F9C] =	sst s0  }
0x9: {  	[smem:$0x3F9D] =	sst s1  }
0xa: {  	[smem:$0x3F9E] =	sst s2  }
0xb: {  	[smem:$0x3F9F] =	sst s3  }
0xc: {  	[smem:$0x3FA0] =	sst s4  }
0xd: {  	[smem:$0x3FA1] =	sst s5  }
0xe: {  	[smem:$0x3FA2] =	sst s6  }
0xf: {  	[smem:$0x3FA3] =	sst s7  }
0x10: {  	[smem:$0x3FA4] =	sst s8  }
0x11: {  	[smem:$0x3FA5] =	sst s9;
	s0 =	simm.s32 @!p0 $0x0  }
0x12: {  	s1 =	sld [smem:$0x3F8B];
	s0 =	simm.s32 @p0 $0x1  }
0x13: {  	[smem:$0x3FA6] =	sst s0;
	s0 =	simm.s32 @!p1 $0x0  }
0x14: {  	s2 =	sld [smem:$0x3F8A];
	s0 =	simm.s32 @p1 $0x1  }
0x15: {  	[smem:$0x3FA7] =	sst s0;
	s0 =	simm.s32 @!p2 $0x0  }
0x16: {  	s3 =	sld [smem:$0x3FDB];
	s0 =	simm.s32 @p2 $0x1  }
0x17: {  	s4 =	simm.s32 $0x1BF5;
	[smem:$0x3FA9] =	sst s0  }
0x18: {  	s0 =	sld [smem:$0x3F8C];
	_ =	swait.ge [sflag:s4], $0x0  }
0x19: {  	s7 =	sld [smem:$0x3F8D]  }
0x1a: {  	s8 =	sadd.s32 $0xFFFFE003, lr  }
0x1b: {  	s9 =	sadd.s32 $0xFFFFFEF7, lr;
	s5 =	simm.s32 $0xFFFFFFFF;
	p2 =	slt.u32 s8, $0xFFFFF086  }
0x1c: {  	p1 =	slt.u32 s9, $0xF7A;
	s5 =	simm.s32 @!p2 $0x0  }
0x1d: {  	s5 =	simm.s32 @p1 $0x1;
	p0 =	seq.s32 s7, s2  }
0x1e: {  	s7 =	smul.u32 @!p0 $0xF7A, s2;
	p2 =	seq.s32 @!p0 s5, $0x0  }
0x1f: {  	s9 =	smul.u32 $0xF7A, s1;
	s8 =	simm.s32 @!p0 $0x1BF5;
	p2 =	por !p2, p0  }
0x20: {  	[sflag:s8] =	ssyncset.s32 @!p0 $0xFFFFF086;
	s6 =	sadd.s32 @!p0 s3, s7;
	s7 =	simm.s32 @!p0 $0x108  }
0x21: {  	s3 =	sadd.s32 s3, s9;
	s6 =	sadd.s32 @!p0 $0x88, s6;
	s7 =	simm.s32 @p2 $0x1082  }
0x22: {  	[simem:s7], [sflag:s8] =	dma.local @!p0 [hbm:s6], $0xF7A  }
0x23: {  	s9 =	sor.u32 $0xD0000000, s2;
	s6 =	simm.s32 $0x108;
	_ =	swait.ge @!p0 [sflag:s8], $0x0  }
0x24: {  	s3 =	sadd.s32 $0x88, s3;
	s6 =	simm.s32 @!p1 $0x1082;
	[sflag:s4] =	ssyncset.s32 $0xFFFFF086  }
0x25: {  	[simem:s6], [sflag:s4] =	dma.local [hbm:s3], $0xF7A  }
0x26: {  	[smem:$0x3F8D] =	sst s1;
	(tag) =	ssettag s2;
	_ =	strace s9  }
0x27: {  	s1 =	sld [smem:$0x3F9D]  }
0x28: {  	s2 =	sld [smem:$0x3F9E]  }
0x29: {  	s4 =	sld [smem:$0x3FA0]  }
0x2a: {  	p0 =	seq.s32 s5, $0x0;
	s5 =	sld [smem:$0x3FA1]  }
0x2b: {  	s6 =	sld [smem:$0x3FA2]  }
0x2c: {  	s7 =	sld [smem:$0x3FA3]  }
0x2d: {  	s3 =	simm.s32 $0x108;
	s8 =	sld [smem:$0x3FA4]  }
0x2e: {  	s3 =	simm.s32 @!p0 $0x1082;
	s9 =	sld [smem:$0x3FA5]  }
0x2f: {  	lr =	sadd.s32 s0, s3;
	s0 =	sld [smem:$0x3F9C]  }
0x30: {  	s3 =	sld [smem:$0x3F9F]  }
0x31: {  	[smem:$0x3FA8] =	sst s10  }
0x32: {  	s10 =	sld [smem:$0x3FA6];
	_ =	sdelay $0x3  }
0x33: {  	p0 =	seq.s32 s10, $0x1;
	s10 =	sld [smem:$0x3FA8];
	_ =	sdelay $0x3  }
0x34: {  	[smem:$0x3FA8] =	sst s10  }
0x35: {  	s10 =	sld [smem:$0x3FA7];
	_ =	sdelay $0x3  }
0x36: {  	p1 =	seq.s32 s10, $0x1;
	s10 =	sld [smem:$0x3FA8];
	_ =	sdelay $0x3  }
0x37: {  	[smem:$0x3FA8] =	sst s10  }
0x38: {  	s10 =	sld [smem:$0x3FA9]  }
0x39: {  	_ = 	snop;
	(pc) =	sbr.ind lr, $3  }
0x3a: {  	_ = 	snop  }
0x3b: {  	_ = 	snop  }
0x3c: {  	p2 =	seq.s32 s10, $0x1;
	s10 =	sld [smem:$0x3FA8]  }
0x3d: {  	_ =	shalt  }
0x3e: {  	_ =	shalt  }
0x3f: {  	_ =	shalt  }
0x40: {  	_ =	shalt  }
0x41: {  	_ =	shalt  }
0x42: {  	_ =	shalt  }
0x43: {  	_ =	shalt  }
0x44: {  	_ =	shalt  }
0x45: {  	_ =	shalt  }
0x46: {  	_ =	shalt  }
0x47: {  	_ =	shalt  }
0x48: {  	_ =	shalt  }
0x49: {  	_ =	shalt  }
0x4a: {  	_ =	shalt  }
0x4b: {  	_ =	shalt  }
0x4c: {  	_ =	shalt  }
0x4d: {  	_ =	shalt  }
0x4e: {  	_ =	shalt  }
0x4f: {  	_ =	shalt  }
0x50: {  	_ =	shalt  }
0x51: {  	_ =	shalt  }
0x52: {  	_ =	shalt  }
0x53: {  	_ =	shalt  }
0x54: {  	_ =	shalt  }
0x55: {  	_ =	shalt  }
0x56: {  	_ =	shalt  }
0x57: {  	_ =	shalt  }
0x58: {  	_ =	shalt  }
0x59: {  	_ =	shalt  }
0x5a: {  	_ =	shalt  }
0x5b: {  	_ =	shalt  }
0x5c: {  	_ =	shalt  }
0x5d: {  	_ =	shalt  }
0x5e: {  	_ =	shalt  }
0x5f: {  	_ =	shalt  }
0x60: {  	_ =	shalt  }
0x61: {  	_ =	shalt  }
0x62: {  	_ =	shalt  }
0x63: {  	_ =	shalt  }
0x64: {  	_ =	shalt  }
0x65: {  	_ =	shalt  }
0x66: {  	_ =	shalt  }
0x67: {  	_ =	shalt  }
0x68: {  	_ =	shalt  }
0x69: {  	_ =	shalt  }
0x6a: {  	_ =	shalt  }
0x6b: {  	_ =	shalt  }
0x6c: {  	_ =	shalt  }
0x6d: {  	_ =	shalt  }
0x6e: {  	_ =	shalt  }
0x6f: {  	_ =	shalt  }
0x70: {  	_ =	shalt  }
0x71: {  	_ =	shalt  }
0x72: {  	_ =	shalt  }
0x73: {  	_ =	shalt  }
0x74: {  	_ =	shalt  }
0x75: {  	_ =	shalt  }
0x76: {  	_ =	shalt  }
0x77: {  	_ =	shalt  }
0x78: {  	_ =	shalt  }
0x79: {  	_ =	shalt  }
0x7a: {  	_ =	shalt  }
0x7b: {  	_ =	shalt  }
0x7c: {  	_ =	shalt  }
0x7d: {  	_ =	shalt  }
0x7e: {  	_ =	shalt  }
0x7f: {  	_ =	shalt  }
0x80: {  	_ =	shalt  }
0x81: {  	_ =	shalt  }
0x82: {  	_ =	shalt  }
0x83: {  	_ =	shalt  }
0x84: {  	_ =	shalt  }
0x85: {  	_ =	shalt  }
0x86: {  	_ =	shalt  }
0x87: {  	_ =	shalt  }
.Lfunc_end0:
.L_simem_size_0:
called_computation.1_lowered:
.L_overlay_start_0:
0x88: {  	s2 =	sld [smem:$0x3FD9]  }
0x89: {  	s3 =	sld [smem:$0x3FFE];
	_ =	sdelay $0x1  }
0x8a: {  	s1 =	srdreg.scid  }
0x8b: {  	s0 =	sand.u32 $0x1, s1  }
0x8c: {  	s16 =	sshll.u32 s0, $0xA;
	s2 =	sadd.s32 s3, s2  }
0x8d: {  	s2 =	sadd.s32 s2, s16  }
0x8e: {  	[smem:$0x3FB4] =	sst s2  }
0x8f: {  	_ = 	snop  }
0x90: {  	(tm) =	ssettm $0x1  }
0x91: {  	s17 =	sld [smem:$0x3FFB];
	_ =	sdelay $0x3  }
0x92: {  	_ =	strace s17  }
0x93: {  	s2 =	sld [smem:$0x3FFC];
	_ =	sdelay $0x3  }
0x94: {  	_ =	strace s2  }
0x95: {  	s2 =	sld [smem:$0x3FFD];
	_ =	sdelay $0x3  }
0x96: {  	_ =	strace s2  }
0x97: {  	_ =	strace $0x8FFFFFFF  }
0x98: {  	s18 =	sld [smem:$0x3FDB];
	_ =	sdelay $0x1  }
0x99: {  	s19 =	simm.s32 $_scs_section_size  }
0x9a: {  	s4 =	simm.s32 $_size__tile_overlayer_lowered;
	s5 =	simm.s32 $_tile_overlayer_lowered  }
0x9b: {  	s22 =	simm.s32 $0x1BFF;
	s21 =	sshll.u32 s5, $0x1;
	s2 =	sadd.s32 s19, s18  }
0x9c: {  	s6 =	simm.s32 $0x0;
	s20 =	sshll.u32 s4, $0x1;
	s4 =	sadd.s32 s21, s2  }
0x9d: {  	[timem:s6], [sflag:s22] =	dma.local [hbm:s4], s20  }
0x9e: {  	_ =	swait.ge [sflag:s22], s20  }
0x9f: {  	s3 =	ssub.s32 $0x0, s20;
	[sflag:s22] =	ssyncset.done $0x0  }
0xa0: {  	[sflag:s22] =	ssyncadd.s32 s3;
	_ =	sdelay $0x1  }
0xa1: {  	s23 =	simm.s32 $0x1B8B  }
0xa2: {  	_ =	swait.ge [sflag:s23], $0x1  }
0xa3: {  	[sflag:s23] =	ssyncset.done $0x0  }
0xa4: {  	s25 =	simm.s32 $0x1B8E;
	s24 =	sld [smem:$0x3FFE];
	[sflag:s23] =	ssyncadd.s32 $0xFFFFFFFF  }
0xa5: {  	s26 =	simm.s32 $execute0_lowered;
	[smem:$0x3FD2] =	sst s25  }
0xa6: {  	s4 =	sshll.u32 s26, $0x1;
	_ =	strace $0x80000049;
	[dreg:$0x1] =	wrdreg $0xFFFFFFFF  }
0xa7: {  	s28 =	simm.s32 $_size_execute0_lowered;
	s2 =	sadd.s32 s2, s4;
	[dreg:$0x0] =	wrdreg $0x0  }
0xa8: {  	s4 =	sshll.u32 s28, $0x1;
	[dreg:$0x2] =	wrdreg s2  }
0xa9: {  	[dreg:$0x3] =	wrdreg s4  }
0xaa: {  	[dreg:$0x4] =	wrdreg $0xC0  }
0xab: {  	_ =	task [dreg:s6], $0x5FFFF  }
0xac: {  	[dreg:$0x1] =	wrdreg $0xFFFFFFFF  }
0xad: {  	[dreg:$0x0] =	wrdreg $0x60  }
0xae: {  	[dreg:$0x2] =	wrdreg s24  }
0xaf: {  	[dreg:$0x3] =	wrdreg $0xA0000  }
0xb0: {  	[dreg:$0x4] =	wrdreg $0x9  }
0xb1: {  	_ =	task.clear_ibuf [dreg:s6], $0x5FFFF;
	_ =	strace $0x90000049  }
0xb2: {  	s29 =	simm.s32 $0x9;
	_ =	strace $0x8000004B  }
0xb3: {  	_ =	swait.ge [sflag:s29], $0x1  }
0xb4: {  	[sflag:s29] =	ssyncadd.s32 $0xFFFFFFFF  }
0xb5: {  	_ =	strace $0x9000004B  }
0xb6: {  	_ =	sfence  }
0xb7: {  	s30 =	sld [smem:$0x0];
	_ =	sdelay $0x2  }
0xb8: {  	s31 =	sshll.u32 s1, $0xD;
	s1 =	sshrl.u32 s1, $0x2  }
0xb9: {  	s3 =	sand.u32 $0x4000, s31;
	s1 =	sadd.s32 s1, s30  }
0xba: {  	s0 =	sor.u32 s3, s0;
	s1 =	sshll.u32 s1, $0x11  }
0xbb: {  	s0 =	sor.u32 s1, s0  }
0xbc: {  	s0 =	sadd.s32 $0x8F2B, s0  }
0xbd: {  	[sflag:s0] =	ssyncadd.remote.s32 $0x1  }
0xbe: {  	_ =	sfence.sel $0xFFFF  }
0xbf: {  	[dreg:$0x0] =	wrdreg $0xFFFFFFFF;
	(pc) =	sbr.abs _section_cstart, $3  }
0xc0: {  	[dreg:$0x1] =	wrdreg $0xFFFFFFFF  }
0xc1: {  	_ =	task.clear_ibuf [dreg:s6], $0x2FFFF;
	_ =	strace $0x9FFFFFFF  }
0xc2: {  	(tm) =	ssettm $0x7FFFFFFF  }
0xc3: {  	_ =	shalt  }
tec
execute0_lowered:
.L_overlay_start_1:
0x0: {  	(tag) =	ssettag $0x1  }
0x1: {  	s7 =	rddreg [dreg:$0x0]  }
0x2: {  	s2 =	rddreg [dreg:$0x1]  }
0x3: {  	s0 =	rddreg [dreg:$0x2]  }
0x4: {  	s3 =	simm.s32 $0x0;
	s1 =	stileid.u32;
	s4 =	srdreg.scid  }
0x5: {  	s17 =	simm.s32 $0x6000;
	s18 =	simm.s32 $0x1;
	s19 =	simm.s32 $0x2  }
0x6: {  	s20 =	simm.s32 $0x1F00;
	s21 =	simm.s32 $0x1F80;
	s8 =	smul.u32 $0x2800, s1  }
0x7: {  	[smem:$0x7FF] =	sst s3;
	s9 =	sand.u32 $0x1, s4;
	s11 =	smul.u32 $0x50000, s1  }
0x8: {  	s4 =	sadd.s32 $0x98800, s7;
	s5 =	sadd.s32 $0x34800, s7;
	s14 =	smul.u32 $0xA0, s1  }
0x9: {  	s6 =	sadd.s32 $0x16800, s7;
	s31 =	sshll.u32 s1, $0x6;
	s10 =	smul.u32 $0x28000, s9  }
0xa: {  	_ =	strace $0x8000004A;
	s13 =	ssub.s32 $0x2, s9;
	s9 =	smul.u32 $0xA00, s9  }
0xb: {  	s12 =	sadd.s32 s8, s7;
	s29 =	sshrl.u32 s13, $0x1;
	s30 =	sshrl.u32 s11, $0x2  }
0xc: {  	s8 =	sadd.s32 s8, s10;
	s13 =	ssub.s32 s13, s29;
	s16 =	sadd.s32 s30, s2  }
0xd: {  	s9 =	sadd.s32 s14, s9;
	s14 =	simm.s32 $0x1000;
	s15 =	sadd.s32 s8, s7  }
0xe: {  	s7 =	sadd.s32 $0xE6A00, s12;
	s8 =	sor.u32 $0x1C03, s31;
	s9 =	sshll.u32 s9, $0x4  }
0xf: {  	s11 =	smax.u32 s13, $0x1;
	s12 =	sshrl.u32 s16, $0x3;
	s13 =	simm.s32 $0x3  }
0x10: {  	s16 =	simm.s32 $0x2000;
	s10 =	sadd.s32 $0x10EA00, s15;
	s15 =	simm.s32 $0x80  }
.LBB2_1:
0x11: {  	[spmem:s12], [sflag:s8] =	dma.local [hbm:s7], $0x2800  }
0x12: {  	_ =	swait.ge [sflag:s13], $0x2800  }
0x13: {  	[sflag:s13] =	ssyncset.done $0x0  }
0x14: {  	[sflag:s13] =	ssyncadd.s32 $0xFFFFD800  }
0x15: {  	s22 =	simm.s32 $0x0;
	[bflag:$0x0] =	sbarrier.arrive $0xFFFF  }
.LBB2_2:
0x16: {  	s23 =	sshll.u32 s22, $0x9  }
0x17: {  	s23 =	sadd.s32 s9, s23  }
0x18: {  	s25 =	simm.s32 $0x0;
	s24 =	sadd.s32 s5, s23  }
0x19: {  	[tilespmem:s25], [sflag:$0x3] =	stream.linear.gather [hbm4b:s24+s25], $0x1000, $0x38;
	[tilespmem:$0x1E000] =	vst v63  }
0x1a: {  	_ =	swait.ge [sflag:s13], $0x1000  }
0x1b: {  	[sflag:s13] =	ssyncset.done $0x0  }
0x1c: {  	s23 =	sadd.s32 s6, s23;
	[sflag:s13] =	ssyncadd.s32 $0xFFFFF000  }
0x1d: {  	[tilespmem:s14], [sflag:$0x3] =	stream.linear.gather [hbm4b:s23+s25], $0x1000, $0x38;
	[tilespmem:$0x1E000] =	vst v63  }
0x1e: {  	_ =	swait.ge [sflag:s13], $0x1000  }
0x1f: {  	[sflag:s13] =	ssyncset.done $0x0  }
0x20: {  	[sflag:s13] =	ssyncadd.s32 $0xFFFFF000  }
0x21: {  	[tilespmem:s16], [sflag:$0x1] =	stream.indirect.gather [hbm4b:s4+s15], $0x80, s25, s15, $0xb8;
	[tilespmem:$0x1E000] =	vst v63  }
0x22: {  	_ = 	snop  }
0x23: {  	[tilespmem:s17], [sflag:$0x2] =	stream.indirect.gather [hbm4b:s4+s15], $0x80, s15, s15, $0xb8;
	[tilespmem:$0x1E000] =	vst v63  }
0x24: {  	_ =	swait.ge [sflag:s18], $0x4000  }
0x25: {  	[sflag:s18] =	ssyncset.done $0x0  }
0x26: {  	s29 =	simm.s32 $0x1000;
	[sflag:s18] =	ssyncadd.s32 $0xFFFFC000  }
0x27: {  	[spmem:s2] =	stream.indirect.scatter.add.f32 [tilespmem:s16], [sflag:$0x3], $0x80, s29, s15, $0xb8;
	[tilespmem:$0x1E000] =	vst v63  }
0x28: {  	_ =	swait.ge [sflag:s13], $0x4000  }
0x29: {  	[sflag:s13] =	ssyncset.done $0x0  }
0x2a: {  	s30 =	simm.s32 $0x100;
	[sflag:s13] =	ssyncadd.s32 $0xFFFFC000  }
0x2b: {  	[tilespmem:s16], [sflag:$0x1] =	stream.indirect.gather [hbm4b:s4+s15], $0x80, s30, s15, $0xb8;
	[tilespmem:$0x1E000] =	vst v63  }
0x2c: {  	_ =	swait.ge [sflag:s19], $0x4000  }
0x2d: {  	[sflag:s19] =	ssyncset.done $0x0  }
0x2e: {  	s31 =	simm.s32 $0x1080;
	[sflag:s19] =	ssyncadd.s32 $0xFFFFC000  }
0x2f: {  	[spmem:s2] =	stream.indirect.scatter.add.f32 [tilespmem:s17], [sflag:$0x3], $0x80, s31, s15, $0xb8;
	[tilespmem:$0x1E000] =	vst v63  }
0x30: {  	_ =	swait.ge [sflag:s13], $0x4000  }
0x31: {  	[sflag:s13] =	ssyncset.done $0x0  }
0x32: {  	s24 =	simm.s32 $0x180;
	s23 =	simm.s32 $0x400;
	[sflag:s13] =	ssyncadd.s32 $0xFFFFC000  }
.LBB2_3:
0x33: {  	[tilespmem:s17], [sflag:$0x2] =	stream.indirect.gather [hbm4b:s4+s15], $0x80, s24, s15, $0xb8;
	[tilespmem:$0x1E000] =	vst v63  }
0x34: {  	s24 =	smov.u32 s23  }
0x35: {  	p0 =	sne.s32 s23, $0x3800;
	s23 =	sadd.s32 $0x400, s23;
	_ =	swait.ge [sflag:s18], $0x4000  }
0x36: {  	s24 =	sshra.s32 s24, $0x2;
	[sflag:s18] =	ssyncset.done $0x0  }
0x37: {  	s25 =	sadd.s32 $0x1000, s24;
	[sflag:s18] =	ssyncadd.s32 $0xFFFFC000  }
0x38: {  	[spmem:s2] =	stream.indirect.scatter.add.f32 [tilespmem:s16], [sflag:$0x3], $0x80, s25, s15, $0xb8;
	[tilespmem:$0x1E000] =	vst v63  }
0x39: {  	_ =	swait.ge [sflag:s13], $0x4000  }
0x3a: {  	[sflag:s13] =	ssyncset.done $0x0  }
0x3b: {  	s25 =	sadd.s32 $0x100, s24;
	[sflag:s13] =	ssyncadd.s32 $0xFFFFC000  }
0x3c: {  	[tilespmem:s16], [sflag:$0x1] =	stream.indirect.gather [hbm4b:s4+s15], $0x80, s25, s15, $0xb8;
	[tilespmem:$0x1E000] =	vst v63  }
0x3d: {  	_ =	swait.ge [sflag:s19], $0x4000  }
0x3e: {  	[sflag:s19] =	ssyncset.done $0x0  }
.Ltmp0:
0x3f: {  	s25 =	sadd.s32 $0x1080, s24;
	[sflag:s19] =	ssyncadd.s32 $0xFFFFC000;
	(pc) =	sbr.rel @p0 .LBB2_3-.Ltmp0, $4  }
0x40: {  	[spmem:s2] =	stream.indirect.scatter.add.f32 [tilespmem:s17], [sflag:$0x3], $0x80, s25, s15, $0xb8;
	[tilespmem:$0x1E000] =	vst v63  }
0x41: {  	_ =	swait.ge [sflag:s13], $0x4000  }
0x42: {  	[sflag:s13] =	ssyncset.done $0x0  }
0x43: {  	s24 =	sadd.s32 $0x180, s24;
	[sflag:s13] =	ssyncadd.s32 $0xFFFFC000  }
0x44: {  	[tilespmem:s17], [sflag:$0x2] =	stream.indirect.gather [hbm4b:s4+s15], $0x80, s24, s15, $0xb8;
	[tilespmem:$0x1E000] =	vst v63  }
0x45: {  	_ =	swait.ge [sflag:s18], $0x4000  }
0x46: {  	[sflag:s18] =	ssyncset.done $0x0  }
0x47: {  	[sflag:s18] =	ssyncadd.s32 $0xFFFFC000  }
0x48: {  	[spmem:s2] =	stream.indirect.scatter.add.f32 [tilespmem:s16], [sflag:$0x3], $0x80, s20, s15, $0xb8;
	[tilespmem:$0x1E000] =	vst v63  }
0x49: {  	_ =	swait.ge [sflag:s13], $0x4000  }
0x4a: {  	[sflag:s13] =	ssyncset.done $0x0  }
0x4b: {  	[sflag:s13] =	ssyncadd.s32 $0xFFFFC000  }
0x4c: {  	s22 =	sadd.s32 $0x1, s22;
	_ =	swait.ge [sflag:s19], $0x4000  }
0x4d: {  	p0 =	sne.s32 s22, $0x5;
	[sflag:s19] =	ssyncset.done $0x0  }
.Ltmp1:
0x4e: {  	[sflag:s19] =	ssyncadd.s32 $0xFFFFC000;
	(pc) =	sbr.rel @p0 .LBB2_2-.Ltmp1, $4  }
0x4f: {  	[spmem:s2] =	stream.indirect.scatter.add.f32 [tilespmem:s17], [sflag:$0x3], $0x80, s21, s15, $0xb8;
	[tilespmem:$0x1E000] =	vst v63  }
0x50: {  	_ =	swait.ge [sflag:s13], $0x4000  }
0x51: {  	[sflag:s13] =	ssyncset.done $0x0  }
0x52: {  	[sflag:s13] =	ssyncadd.s32 $0xFFFFC000  }
0x53: {  	s3 =	sadd.s32 $0x1, s3  }
0x54: {  	p0 =	sne.s32 s3, s11  }
.Ltmp2:
0x55: {  	[bflag:$0x0] =	sbarrier.arrive $0xFFFF;
	(pc) =	sbr.rel @p0 .LBB2_1-.Ltmp2, $4  }
0x56: {  	[hbm:s10], [sflag:s8] =	dma.local [spmem:s12], $0x2800  }
0x57: {  	_ =	swait.ge [sflag:s13], $0x2800  }
0x58: {  	[sflag:s13] =	ssyncset.done $0x0  }
0x59: {  	[sflag:s13] =	ssyncadd.s32 $0xFFFFD800  }
0x5a: {  	_ =	sfence.sel $0x180000  }
0x5b: {  	[bflag:$0x0] =	sbarrier.arrive $0xFFFF  }
0x5c: {  	p0 =	sne.s32 s1, $0x0;
	_ =	strace $0x9000004A  }
0x5d: {  	s0 =	sadd.s32 @!p0 $0x100000, s0;
	[bflag:$0x2] =	sbarrier.arrive $0xFFFF  }
0x5e: {  	[sflag:s0] =	ssyncadd.tile.s32 @!p0 $0x1;
	_ =	shalt  }
.Lfunc_end2:
_tile_overlayer_lowered:
.L_overlay_start_2:
0x5f: {  	(tag) =	ssettag $0x2  }
0x60: {  	s0 =	rddreg [dreg:$0x0];
	s2 =	stileid.u32  }
0x61: {  	s1 =	rddreg [dreg:$0x1];
	p0 =	sne.s32 s2, $0x0  }
0x62: {  	s3 =	rddreg [dreg:$0x2];
	[bflag:$0x3] =	sbarrier.arrive $0xFFFF;
	s2 =	simm.s32 @!p0 $0x1C03  }
0x63: {  	[timem:s3], [sflag:s2] =	dma.local @!p0 [hbm:s0], s1  }
0x64: {  	s0 =	simm.s32 @!p0 $0x3  }
0x65: {  	_ =	swait.ge @!p0 [sflag:s0], s1  }
0x66: {  	s1 =	ssub.s32 @!p0 $0x0, s1;
	[sflag:s0] =	ssyncset.done @!p0 $0x0  }
0x67: {  	[sflag:s0] =	ssyncadd.s32 @!p0 s1  }
0x68: {  	[bflag:$0x3] =	sbarrier.arrive $0xFFFF  }
0x69: {  	_ =	shalt  }

// kernel: kernel.15.cloned.1.call-start
scs
__scs_entry_jumppad:
0x0: {  	(pc) =	sbr.rel $0x88, $3  }
0x1: {  	(tag) =	ssettag $0x0;
	lr =	simm.s32 $0x1  }
0x2: {  	[smem:$0x3F8D] =	sst lr;
	_ =	strace $0xD0000000  }
0x3: {  	_ = 	snop  }
0x4: {  	_ = 	snop  }
0x5: {  	_ = 	snop  }
0x6: {  	_ = 	snop  }
0x7: {  	_ = 	snop  }
__scs_overlays_trampoline_lowered:
0x8: {  	[smem:$0x3F9C] =	sst s0  }
0x9: {  	[smem:$0x3F9D] =	sst s1  }
0xa: {  	[smem:$0x3F9E] =	sst s2  }
0xb: {  	[smem:$0x3F9F] =	sst s3  }
0xc: {  	[smem:$0x3FA0] =	sst s4  }
0xd: {  	[smem:$0x3FA1] =	sst s5  }
0xe: {  	[smem:$0x3FA2] =	sst s6  }
0xf: {  	[smem:$0x3FA3] =	sst s7  }
0x10: {  	[smem:$0x3FA4] =	sst s8  }
0x11: {  	[smem:$0x3FA5] =	sst s9;
	s0 =	simm.s32 @!p0 $0x0  }
0x12: {  	s1 =	sld [smem:$0x3F8B];
	s0 =	simm.s32 @p0 $0x1  }
0x13: {  	[smem:$0x3FA6] =	sst s0;
	s0 =	simm.s32 @!p1 $0x0  }
0x14: {  	s2 =	sld [smem:$0x3F8A];
	s0 =	simm.s32 @p1 $0x1  }
0x15: {  	[smem:$0x3FA7] =	sst s0;
	s0 =	simm.s32 @!p2 $0x0  }
0x16: {  	s3 =	sld [smem:$0x3FDB];
	s0 =	simm.s32 @p2 $0x1  }
0x17: {  	s4 =	simm.s32 $0x1BF5;
	[smem:$0x3FA9] =	sst s0  }
0x18: {  	s0 =	sld [smem:$0x3F8C];
	_ =	swait.ge [sflag:s4], $0x0  }
0x19: {  	s7 =	sld [smem:$0x3F8D]  }
0x1a: {  	s8 =	sadd.s32 $0xFFFFE003, lr  }
0x1b: {  	s9 =	sadd.s32 $0xFFFFFEF7, lr;
	s5 =	simm.s32 $0xFFFFFFFF;
	p2 =	slt.u32 s8, $0xFFFFF086  }
0x1c: {  	p1 =	slt.u32 s9, $0xF7A;
	s5 =	simm.s32 @!p2 $0x0  }
0x1d: {  	s5 =	simm.s32 @p1 $0x1;
	p0 =	seq.s32 s7, s2  }
0x1e: {  	s7 =	smul.u32 @!p0 $0xF7A, s2;
	p2 =	seq.s32 @!p0 s5, $0x0  }
0x1f: {  	s9 =	smul.u32 $0xF7A, s1;
	s8 =	simm.s32 @!p0 $0x1BF5;
	p2 =	por !p2, p0  }
0x20: {  	[sflag:s8] =	ssyncset.s32 @!p0 $0xFFFFF086;
	s6 =	sadd.s32 @!p0 s3, s7;
	s7 =	simm.s32 @!p0 $0x108  }
0x21: {  	s3 =	sadd.s32 s3, s9;
	s6 =	sadd.s32 @!p0 $0x88, s6;
	s7 =	simm.s32 @p2 $0x1082  }
0x22: {  	[simem:s7], [sflag:s8] =	dma.local @!p0 [hbm:s6], $0xF7A  }
0x23: {  	s9 =	sor.u32 $0xD0000000, s2;
	s6 =	simm.s32 $0x108;
	_ =	swait.ge @!p0 [sflag:s8], $0x0  }
0x24: {  	s3 =	sadd.s32 $0x88, s3;
	s6 =	simm.s32 @!p1 $0x1082;
	[sflag:s4] =	ssyncset.s32 $0xFFFFF086  }
0x25: {  	[simem:s6], [sflag:s4] =	dma.local [hbm:s3], $0xF7A  }
0x26: {  	[smem:$0x3F8D] =	sst s1;
	(tag) =	ssettag s2;
	_ =	strace s9  }
0x27: {  	s1 =	sld [smem:$0x3F9D]  }
0x28: {  	s2 =	sld [smem:$0x3F9E]  }
0x29: {  	s4 =	sld [smem:$0x3FA0]  }
0x2a: {  	p0 =	seq.s32 s5, $0x0;
	s5 =	sld [smem:$0x3FA1]  }
0x2b: {  	s6 =	sld [smem:$0x3FA2]  }
0x2c: {  	s7 =	sld [smem:$0x3FA3]  }
0x2d: {  	s3 =	simm.s32 $0x108;
	s8 =	sld [smem:$0x3FA4]  }
0x2e: {  	s3 =	simm.s32 @!p0 $0x1082;
	s9 =	sld [smem:$0x3FA5]  }
0x2f: {  	lr =	sadd.s32 s0, s3;
	s0 =	sld [smem:$0x3F9C]  }
0x30: {  	s3 =	sld [smem:$0x3F9F]  }
0x31: {  	[smem:$0x3FA8] =	sst s10  }
0x32: {  	s10 =	sld [smem:$0x3FA6];
	_ =	sdelay $0x3  }
0x33: {  	p0 =	seq.s32 s10, $0x1;
	s10 =	sld [smem:$0x3FA8];
	_ =	sdelay $0x3  }
0x34: {  	[smem:$0x3FA8] =	sst s10  }
0x35: {  	s10 =	sld [smem:$0x3FA7];
	_ =	sdelay $0x3  }
0x36: {  	p1 =	seq.s32 s10, $0x1;
	s10 =	sld [smem:$0x3FA8];
	_ =	sdelay $0x3  }
0x37: {  	[smem:$0x3FA8] =	sst s10  }
0x38: {  	s10 =	sld [smem:$0x3FA9]  }
0x39: {  	_ = 	snop;
	(pc) =	sbr.ind lr, $3  }
0x3a: {  	_ = 	snop  }
0x3b: {  	_ = 	snop  }
0x3c: {  	p2 =	seq.s32 s10, $0x1;
	s10 =	sld [smem:$0x3FA8]  }
0x3d: {  	_ =	shalt  }
0x3e: {  	_ =	shalt  }
0x3f: {  	_ =	shalt  }
0x40: {  	_ =	shalt  }
0x41: {  	_ =	shalt  }
0x42: {  	_ =	shalt  }
0x43: {  	_ =	shalt  }
0x44: {  	_ =	shalt  }
0x45: {  	_ =	shalt  }
0x46: {  	_ =	shalt  }
0x47: {  	_ =	shalt  }
0x48: {  	_ =	shalt  }
0x49: {  	_ =	shalt  }
0x4a: {  	_ =	shalt  }
0x4b: {  	_ =	shalt  }
0x4c: {  	_ =	shalt  }
0x4d: {  	_ =	shalt  }
0x4e: {  	_ =	shalt  }
0x4f: {  	_ =	shalt  }
0x50: {  	_ =	shalt  }
0x51: {  	_ =	shalt  }
0x52: {  	_ =	shalt  }
0x53: {  	_ =	shalt  }
0x54: {  	_ =	shalt  }
0x55: {  	_ =	shalt  }
0x56: {  	_ =	shalt  }
0x57: {  	_ =	shalt  }
0x58: {  	_ =	shalt  }
0x59: {  	_ =	shalt  }
0x5a: {  	_ =	shalt  }
0x5b: {  	_ =	shalt  }
0x5c: {  	_ =	shalt  }
0x5d: {  	_ =	shalt  }
0x5e: {  	_ =	shalt  }
0x5f: {  	_ =	shalt  }
0x60: {  	_ =	shalt  }
0x61: {  	_ =	shalt  }
0x62: {  	_ =	shalt  }
0x63: {  	_ =	shalt  }
0x64: {  	_ =	shalt  }
0x65: {  	_ =	shalt  }
0x66: {  	_ =	shalt  }
0x67: {  	_ =	shalt  }
0x68: {  	_ =	shalt  }
0x69: {  	_ =	shalt  }
0x6a: {  	_ =	shalt  }
0x6b: {  	_ =	shalt  }
0x6c: {  	_ =	shalt  }
0x6d: {  	_ =	shalt  }
0x6e: {  	_ =	shalt  }
0x6f: {  	_ =	shalt  }
0x70: {  	_ =	shalt  }
0x71: {  	_ =	shalt  }
0x72: {  	_ =	shalt  }
0x73: {  	_ =	shalt  }
0x74: {  	_ =	shalt  }
0x75: {  	_ =	shalt  }
0x76: {  	_ =	shalt  }
0x77: {  	_ =	shalt  }
0x78: {  	_ =	shalt  }
0x79: {  	_ =	shalt  }
0x7a: {  	_ =	shalt  }
0x7b: {  	_ =	shalt  }
0x7c: {  	_ =	shalt  }
0x7d: {  	_ =	shalt  }
0x7e: {  	_ =	shalt  }
0x7f: {  	_ =	shalt  }
0x80: {  	_ =	shalt  }
0x81: {  	_ =	shalt  }
0x82: {  	_ =	shalt  }
0x83: {  	_ =	shalt  }
0x84: {  	_ =	shalt  }
0x85: {  	_ =	shalt  }
0x86: {  	_ =	shalt  }
0x87: {  	_ =	shalt  }
.Lfunc_end0:
.L_simem_size_0:
called_computation.2_lowered:
.L_overlay_start_0:
0x88: {  	s2 =	sld [smem:$0x3FD9]  }
0x89: {  	s3 =	sld [smem:$0x3FFE];
	_ =	sdelay $0x1  }
0x8a: {  	s1 =	srdreg.scid  }
0x8b: {  	s0 =	sand.u32 $0x1, s1  }
0x8c: {  	s16 =	sshll.u32 s0, $0xA;
	s2 =	sadd.s32 s3, s2  }
0x8d: {  	s2 =	sadd.s32 s2, s16  }
0x8e: {  	[smem:$0x3FB4] =	sst s2  }
0x8f: {  	_ = 	snop  }
0x90: {  	(tm) =	ssettm $0x1  }
0x91: {  	s17 =	sld [smem:$0x3FFB];
	_ =	sdelay $0x3  }
0x92: {  	_ =	strace s17  }
0x93: {  	s2 =	sld [smem:$0x3FFC];
	_ =	sdelay $0x3  }
0x94: {  	_ =	strace s2  }
0x95: {  	s2 =	sld [smem:$0x3FFD];
	_ =	sdelay $0x3  }
0x96: {  	_ =	strace s2  }
0x97: {  	_ =	strace $0x8FFFFFFF  }
0x98: {  	s18 =	sld [smem:$0x3FDB];
	_ =	sdelay $0x1  }
0x99: {  	s19 =	simm.s32 $_scs_section_size  }
0x9a: {  	s4 =	simm.s32 $_size__tile_overlayer_lowered;
	s5 =	simm.s32 $_tile_overlayer_lowered  }
0x9b: {  	s22 =	simm.s32 $0x1BFF;
	s21 =	sshll.u32 s5, $0x1;
	s2 =	sadd.s32 s19, s18  }
0x9c: {  	s6 =	simm.s32 $0x0;
	s20 =	sshll.u32 s4, $0x1;
	s4 =	sadd.s32 s21, s2  }
0x9d: {  	[timem:s6], [sflag:s22] =	dma.local [hbm:s4], s20  }
0x9e: {  	_ =	swait.ge [sflag:s22], s20  }
0x9f: {  	s3 =	ssub.s32 $0x0, s20;
	[sflag:s22] =	ssyncset.done $0x0  }
0xa0: {  	[sflag:s22] =	ssyncadd.s32 s3;
	_ =	sdelay $0x1  }
0xa1: {  	s23 =	simm.s32 $0x1B8B  }
0xa2: {  	_ =	swait.ge [sflag:s23], $0x1  }
0xa3: {  	[sflag:s23] =	ssyncset.done $0x0  }
0xa4: {  	s25 =	simm.s32 $0x1B8E;
	s24 =	sld [smem:$0x3FFE];
	[sflag:s23] =	ssyncadd.s32 $0xFFFFFFFF  }
0xa5: {  	s26 =	simm.s32 $execute0_lowered;
	[smem:$0x3FD2] =	sst s25  }
0xa6: {  	s4 =	sshll.u32 s26, $0x1;
	_ =	strace $0x8000004C;
	[dreg:$0x1] =	wrdreg $0xFFFFFFFF  }
0xa7: {  	s28 =	simm.s32 $_size_execute0_lowered;
	s2 =	sadd.s32 s2, s4;
	[dreg:$0x0] =	wrdreg $0x0  }
0xa8: {  	s4 =	sshll.u32 s28, $0x1;
	[dreg:$0x2] =	wrdreg s2  }
0xa9: {  	[dreg:$0x3] =	wrdreg s4  }
0xaa: {  	[dreg:$0x4] =	wrdreg $0xC0  }
0xab: {  	_ =	task [dreg:s6], $0x5FFFF  }
0xac: {  	[dreg:$0x1] =	wrdreg $0xFFFFFFFF  }
0xad: {  	[dreg:$0x0] =	wrdreg $0x60  }
0xae: {  	[dreg:$0x2] =	wrdreg s24  }
0xaf: {  	[dreg:$0x3] =	wrdreg $0xA0000  }
0xb0: {  	[dreg:$0x4] =	wrdreg $0x9  }
0xb1: {  	_ =	task.clear_ibuf [dreg:s6], $0x5FFFF;
	_ =	strace $0x9000004C  }
0xb2: {  	s29 =	simm.s32 $0x9;
	_ =	strace $0x8000004E  }
0xb3: {  	_ =	swait.ge [sflag:s29], $0x1  }
0xb4: {  	[sflag:s29] =	ssyncadd.s32 $0xFFFFFFFF  }
0xb5: {  	_ =	strace $0x9000004E  }
0xb6: {  	_ =	sfence  }
0xb7: {  	s30 =	sld [smem:$0x0];
	_ =	sdelay $0x2  }
0xb8: {  	s31 =	sshll.u32 s1, $0xD;
	s1 =	sshrl.u32 s1, $0x2  }
0xb9: {  	s3 =	sand.u32 $0x4000, s31;
	s1 =	sadd.s32 s1, s30  }
0xba: {  	s0 =	sor.u32 s3, s0;
	s1 =	sshll.u32 s1, $0x11  }
0xbb: {  	s0 =	sor.u32 s1, s0  }
0xbc: {  	s0 =	sadd.s32 $0x8F2B, s0  }
0xbd: {  	[sflag:s0] =	ssyncadd.remote.s32 $0x1  }
0xbe: {  	_ =	sfence.sel $0xFFFF  }
0xbf: {  	[dreg:$0x0] =	wrdreg $0xFFFFFFFF;
	(pc) =	sbr.abs _section_cstart, $3  }
0xc0: {  	[dreg:$0x1] =	wrdreg $0xFFFFFFFF  }
0xc1: {  	_ =	task.clear_ibuf [dreg:s6], $0x2FFFF;
	_ =	strace $0x9FFFFFFF  }
0xc2: {  	(tm) =	ssettm $0x7FFFFFFF  }
0xc3: {  	_ =	shalt  }
tec
execute0_lowered:
.L_overlay_start_1:
0x0: {  	(tag) =	ssettag $0x1  }
0x1: {  	s7 =	rddreg [dreg:$0x0]  }
0x2: {  	s2 =	rddreg [dreg:$0x1]  }
0x3: {  	s0 =	rddreg [dreg:$0x2]  }
0x4: {  	s3 =	simm.s32 $0x0;
	s1 =	stileid.u32;
	s4 =	srdreg.scid  }
0x5: {  	s17 =	simm.s32 $0x6000;
	s18 =	simm.s32 $0x1;
	s19 =	simm.s32 $0x2  }
0x6: {  	s20 =	simm.s32 $0x1F00;
	s21 =	simm.s32 $0x1F80;
	s8 =	smul.u32 $0x2800, s1  }
0x7: {  	[smem:$0x7FF] =	sst s3;
	s9 =	sand.u32 $0x1, s4;
	s11 =	smul.u32 $0x50000, s1  }
0x8: {  	s4 =	sadd.s32 $0x98800, s7;
	s5 =	sadd.s32 $0x34800, s7;
	s14 =	smul.u32 $0xA0, s1  }
0x9: {  	s6 =	sadd.s32 $0x16800, s7;
	s31 =	sshll.u32 s1, $0x6;
	s10 =	smul.u32 $0x28000, s9  }
0xa: {  	_ =	strace $0x8000004D;
	s13 =	ssub.s32 $0x2, s9;
	s9 =	smul.u32 $0xA00, s9  }
0xb: {  	s12 =	sadd.s32 s8, s7;
	s29 =	sshrl.u32 s13, $0x1;
	s30 =	sshrl.u32 s11, $0x2  }
0xc: {  	s8 =	sadd.s32 s8, s10;
	s13 =	ssub.s32 s13, s29;
	s16 =	sadd.s32 s30, s2  }
0xd: {  	s9 =	sadd.s32 s14, s9;
	s14 =	simm.s32 $0x1000;
	s15 =	sadd.s32 s8, s7  }
0xe: {  	s7 =	sadd.s32 $0xE6A00, s12;
	s8 =	sor.u32 $0x1C03, s31;
	s9 =	sshll.u32 s9, $0x4  }
0xf: {  	s11 =	smax.u32 s13, $0x1;
	s12 =	sshrl.u32 s16, $0x3;
	s13 =	simm.s32 $0x3  }
0x10: {  	s16 =	simm.s32 $0x2000;
	s10 =	sadd.s32 $0x10EA00, s15;
	s15 =	simm.s32 $0x80  }
.LBB2_1:
0x11: {  	[spmem:s12], [sflag:s8] =	dma.local [hbm:s7], $0x2800  }
0x12: {  	_ =	swait.ge [sflag:s13], $0x2800  }
0x13: {  	[sflag:s13] =	ssyncset.done $0x0  }
0x14: {  	[sflag:s13] =	ssyncadd.s32 $0xFFFFD800  }
0x15: {  	s22 =	simm.s32 $0x0;
	[bflag:$0x0] =	sbarrier.arrive $0xFFFF  }
.LBB2_2:
0x16: {  	s23 =	sshll.u32 s22, $0x9  }
0x17: {  	s23 =	sadd.s32 s9, s23  }
0x18: {  	s25 =	simm.s32 $0x0;
	s24 =	sadd.s32 s5, s23  }
0x19: {  	[tilespmem:s25], [sflag:$0x3] =	stream.linear.gather [hbm4b:s24+s25], $0x1000, $0x38;
	[tilespmem:$0x1E000] =	vst v63  }
0x1a: {  	_ =	swait.ge [sflag:s13], $0x1000  }
0x1b: {  	[sflag:s13] =	ssyncset.done $0x0  }
0x1c: {  	s23 =	sadd.s32 s6, s23;
	[sflag:s13] =	ssyncadd.s32 $0xFFFFF000  }
0x1d: {  	[tilespmem:s14], [sflag:$0x3] =	stream.linear.gather [hbm4b:s23+s25], $0x1000, $0x38;
	[tilespmem:$0x1E000] =	vst v63  }
0x1e: {  	_ =	swait.ge [sflag:s13], $0x1000  }
0x1f: {  	[sflag:s13] =	ssyncset.done $0x0  }
0x20: {  	[sflag:s13] =	ssyncadd.s32 $0xFFFFF000  }
0x21: {  	[tilespmem:s16], [sflag:$0x1] =	stream.indirect.gather [hbm4b:s4+s15], $0x80, s25, s15, $0xb8;
	[tilespmem:$0x1E000] =	vst v63  }
0x22: {  	_ = 	snop  }
0x23: {  	[tilespmem:s17], [sflag:$0x2] =	stream.indirect.gather [hbm4b:s4+s15], $0x80, s15, s15, $0xb8;
	[tilespmem:$0x1E000] =	vst v63  }
0x24: {  	_ =	swait.ge [sflag:s18], $0x4000  }
0x25: {  	[sflag:s18] =	ssyncset.done $0x0  }
0x26: {  	s29 =	simm.s32 $0x1000;
	[sflag:s18] =	ssyncadd.s32 $0xFFFFC000  }
0x27: {  	[spmem:s2] =	stream.indirect.scatter.add.f32 [tilespmem:s16], [sflag:$0x3], $0x80, s29, s15, $0xb8;
	[tilespmem:$0x1E000] =	vst v63  }
0x28: {  	_ =	swait.ge [sflag:s13], $0x4000  }
0x29: {  	[sflag:s13] =	ssyncset.done $0x0  }
0x2a: {  	s30 =	simm.s32 $0x100;
	[sflag:s13] =	ssyncadd.s32 $0xFFFFC000  }
0x2b: {  	[tilespmem:s16], [sflag:$0x1] =	stream.indirect.gather [hbm4b:s4+s15], $0x80, s30, s15, $0xb8;
	[tilespmem:$0x1E000] =	vst v63  }
0x2c: {  	_ =	swait.ge [sflag:s19], $0x4000  }
0x2d: {  	[sflag:s19] =	ssyncset.done $0x0  }
0x2e: {  	s31 =	simm.s32 $0x1080;
	[sflag:s19] =	ssyncadd.s32 $0xFFFFC000  }
0x2f: {  	[spmem:s2] =	stream.indirect.scatter.add.f32 [tilespmem:s17], [sflag:$0x3], $0x80, s31, s15, $0xb8;
	[tilespmem:$0x1E000] =	vst v63  }
0x30: {  	_ =	swait.ge [sflag:s13], $0x4000  }
0x31: {  	[sflag:s13] =	ssyncset.done $0x0  }
0x32: {  	s24 =	simm.s32 $0x180;
	s23 =	simm.s32 $0x400;
	[sflag:s13] =	ssyncadd.s32 $0xFFFFC000  }
.LBB2_3:
0x33: {  	[tilespmem:s17], [sflag:$0x2] =	stream.indirect.gather [hbm4b:s4+s15], $0x80, s24, s15, $0xb8;
	[tilespmem:$0x1E000] =	vst v63  }
0x34: {  	s24 =	smov.u32 s23  }
0x35: {  	p0 =	sne.s32 s23, $0x3800;
	s23 =	sadd.s32 $0x400, s23;
	_ =	swait.ge [sflag:s18], $0x4000  }
0x36: {  	s24 =	sshra.s32 s24, $0x2;
	[sflag:s18] =	ssyncset.done $0x0  }
0x37: {  	s25 =	sadd.s32 $0x1000, s24;
	[sflag:s18] =	ssyncadd.s32 $0xFFFFC000  }
0x38: {  	[spmem:s2] =	stream.indirect.scatter.add.f32 [tilespmem:s16], [sflag:$0x3], $0x80, s25, s15, $0xb8;
	[tilespmem:$0x1E000] =	vst v63  }
0x39: {  	_ =	swait.ge [sflag:s13], $0x4000  }
0x3a: {  	[sflag:s13] =	ssyncset.done $0x0  }
0x3b: {  	s25 =	sadd.s32 $0x100, s24;
	[sflag:s13] =	ssyncadd.s32 $0xFFFFC000  }
0x3c: {  	[tilespmem:s16], [sflag:$0x1] =	stream.indirect.gather [hbm4b:s4+s15], $0x80, s25, s15, $0xb8;
	[tilespmem:$0x1E000] =	vst v63  }
0x3d: {  	_ =	swait.ge [sflag:s19], $0x4000  }
0x3e: {  	[sflag:s19] =	ssyncset.done $0x0  }
.Ltmp0:
0x3f: {  	s25 =	sadd.s32 $0x1080, s24;
	[sflag:s19] =	ssyncadd.s32 $0xFFFFC000;
	(pc) =	sbr.rel @p0 .LBB2_3-.Ltmp0, $4  }
0x40: {  	[spmem:s2] =	stream.indirect.scatter.add.f32 [tilespmem:s17], [sflag:$0x3], $0x80, s25, s15, $0xb8;
	[tilespmem:$0x1E000] =	vst v63  }
0x41: {  	_ =	swait.ge [sflag:s13], $0x4000  }
0x42: {  	[sflag:s13] =	ssyncset.done $0x0  }
0x43: {  	s24 =	sadd.s32 $0x180, s24;
	[sflag:s13] =	ssyncadd.s32 $0xFFFFC000  }
0x44: {  	[tilespmem:s17], [sflag:$0x2] =	stream.indirect.gather [hbm4b:s4+s15], $0x80, s24, s15, $0xb8;
	[tilespmem:$0x1E000] =	vst v63  }
0x45: {  	_ =	swait.ge [sflag:s18], $0x4000  }
0x46: {  	[sflag:s18] =	ssyncset.done $0x0  }
0x47: {  	[sflag:s18] =	ssyncadd.s32 $0xFFFFC000  }
0x48: {  	[spmem:s2] =	stream.indirect.scatter.add.f32 [tilespmem:s16], [sflag:$0x3], $0x80, s20, s15, $0xb8;
	[tilespmem:$0x1E000] =	vst v63  }
0x49: {  	_ =	swait.ge [sflag:s13], $0x4000  }
0x4a: {  	[sflag:s13] =	ssyncset.done $0x0  }
0x4b: {  	[sflag:s13] =	ssyncadd.s32 $0xFFFFC000  }
0x4c: {  	s22 =	sadd.s32 $0x1, s22;
	_ =	swait.ge [sflag:s19], $0x4000  }
0x4d: {  	p0 =	sne.s32 s22, $0x5;
	[sflag:s19] =	ssyncset.done $0x0  }
.Ltmp1:
0x4e: {  	[sflag:s19] =	ssyncadd.s32 $0xFFFFC000;
	(pc) =	sbr.rel @p0 .LBB2_2-.Ltmp1, $4  }
0x4f: {  	[spmem:s2] =	stream.indirect.scatter.add.f32 [tilespmem:s17], [sflag:$0x3], $0x80, s21, s15, $0xb8;
	[tilespmem:$0x1E000] =	vst v63  }
0x50: {  	_ =	swait.ge [sflag:s13], $0x4000  }
0x51: {  	[sflag:s13] =	ssyncset.done $0x0  }
0x52: {  	[sflag:s13] =	ssyncadd.s32 $0xFFFFC000  }
0x53: {  	s3 =	sadd.s32 $0x1, s3  }
0x54: {  	p0 =	sne.s32 s3, s11  }
.Ltmp2:
0x55: {  	[bflag:$0x0] =	sbarrier.arrive $0xFFFF;
	(pc) =	sbr.rel @p0 .LBB2_1-.Ltmp2, $4  }
0x56: {  	[hbm:s10], [sflag:s8] =	dma.local [spmem:s12], $0x2800  }
0x57: {  	_ =	swait.ge [sflag:s13], $0x2800  }
0x58: {  	[sflag:s13] =	ssyncset.done $0x0  }
0x59: {  	[sflag:s13] =	ssyncadd.s32 $0xFFFFD800  }
0x5a: {  	_ =	sfence.sel $0x180000  }
0x5b: {  	[bflag:$0x0] =	sbarrier.arrive $0xFFFF  }
0x5c: {  	p0 =	sne.s32 s1, $0x0;
	_ =	strace $0x9000004D  }
0x5d: {  	s0 =	sadd.s32 @!p0 $0x100000, s0;
	[bflag:$0x2] =	sbarrier.arrive $0xFFFF  }
0x5e: {  	[sflag:s0] =	ssyncadd.tile.s32 @!p0 $0x1;
	_ =	shalt  }
.Lfunc_end2:
_tile_overlayer_lowered:
.L_overlay_start_2:
0x5f: {  	(tag) =	ssettag $0x2  }
0x60: {  	s0 =	rddreg [dreg:$0x0];
	s2 =	stileid.u32  }
0x61: {  	s1 =	rddreg [dreg:$0x1];
	p0 =	sne.s32 s2, $0x0  }
0x62: {  	s3 =	rddreg [dreg:$0x2];
	[bflag:$0x3] =	sbarrier.arrive $0xFFFF;
	s2 =	simm.s32 @!p0 $0x1C03  }
0x63: {  	[timem:s3], [sflag:s2] =	dma.local @!p0 [hbm:s0], s1  }
0x64: {  	s0 =	simm.s32 @!p0 $0x3  }
0x65: {  	_ =	swait.ge @!p0 [sflag:s0], s1  }
0x66: {  	s1 =	ssub.s32 @!p0 $0x0, s1;
	[sflag:s0] =	ssyncset.done @!p0 $0x0  }
0x67: {  	[sflag:s0] =	ssyncadd.s32 @!p0 s1  }
0x68: {  	[bflag:$0x3] =	sbarrier.arrive $0xFFFF  }
0x69: {  	_ =	shalt  }

// kernel: kernel.9.cloned.1.call-start
scs
__scs_entry_jumppad:
0x0: {  	(pc) =	sbr.rel $0x88, $3  }
0x1: {  	(tag) =	ssettag $0x0;
	lr =	simm.s32 $0x1  }
0x2: {  	[smem:$0x3F8D] =	sst lr;
	_ =	strace $0xD0000000  }
0x3: {  	_ = 	snop  }
0x4: {  	_ = 	snop  }
0x5: {  	_ = 	snop  }
0x6: {  	_ = 	snop  }
0x7: {  	_ = 	snop  }
__scs_overlays_trampoline_lowered:
0x8: {  	[smem:$0x3F9C] =	sst s0  }
0x9: {  	[smem:$0x3F9D] =	sst s1  }
0xa: {  	[smem:$0x3F9E] =	sst s2  }
0xb: {  	[smem:$0x3F9F] =	sst s3  }
0xc: {  	[smem:$0x3FA0] =	sst s4  }
0xd: {  	[smem:$0x3FA1] =	sst s5  }
0xe: {  	[smem:$0x3FA2] =	sst s6  }
0xf: {  	[smem:$0x3FA3] =	sst s7  }
0x10: {  	[smem:$0x3FA4] =	sst s8  }
0x11: {  	[smem:$0x3FA5] =	sst s9;
	s0 =	simm.s32 @!p0 $0x0  }
0x12: {  	s1 =	sld [smem:$0x3F8B];
	s0 =	simm.s32 @p0 $0x1  }
0x13: {  	[smem:$0x3FA6] =	sst s0;
	s0 =	simm.s32 @!p1 $0x0  }
0x14: {  	s2 =	sld [smem:$0x3F8A];
	s0 =	simm.s32 @p1 $0x1  }
0x15: {  	[smem:$0x3FA7] =	sst s0;
	s0 =	simm.s32 @!p2 $0x0  }
0x16: {  	s3 =	sld [smem:$0x3FDB];
	s0 =	simm.s32 @p2 $0x1  }
0x17: {  	s4 =	simm.s32 $0x1BF5;
	[smem:$0x3FA9] =	sst s0  }
0x18: {  	s0 =	sld [smem:$0x3F8C];
	_ =	swait.ge [sflag:s4], $0x0  }
0x19: {  	s7 =	sld [smem:$0x3F8D]  }
0x1a: {  	s8 =	sadd.s32 $0xFFFFE003, lr  }
0x1b: {  	s9 =	sadd.s32 $0xFFFFFEF7, lr;
	s5 =	simm.s32 $0xFFFFFFFF;
	p2 =	slt.u32 s8, $0xFFFFF086  }
0x1c: {  	p1 =	slt.u32 s9, $0xF7A;
	s5 =	simm.s32 @!p2 $0x0  }
0x1d: {  	s5 =	simm.s32 @p1 $0x1;
	p0 =	seq.s32 s7, s2  }
0x1e: {  	s7 =	smul.u32 @!p0 $0xF7A, s2;
	p2 =	seq.s32 @!p0 s5, $0x0  }
0x1f: {  	s9 =	smul.u32 $0xF7A, s1;
	s8 =	simm.s32 @!p0 $0x1BF5;
	p2 =	por !p2, p0  }
0x20: {  	[sflag:s8] =	ssyncset.s32 @!p0 $0xFFFFF086;
	s6 =	sadd.s32 @!p0 s3, s7;
	s7 =	simm.s32 @!p0 $0x108  }
0x21: {  	s3 =	sadd.s32 s3, s9;
	s6 =	sadd.s32 @!p0 $0x88, s6;
	s7 =	simm.s32 @p2 $0x1082  }
0x22: {  	[simem:s7], [sflag:s8] =	dma.local @!p0 [hbm:s6], $0xF7A  }
0x23: {  	s9 =	sor.u32 $0xD0000000, s2;
	s6 =	simm.s32 $0x108;
	_ =	swait.ge @!p0 [sflag:s8], $0x0  }
0x24: {  	s3 =	sadd.s32 $0x88, s3;
	s6 =	simm.s32 @!p1 $0x1082;
	[sflag:s4] =	ssyncset.s32 $0xFFFFF086  }
0x25: {  	[simem:s6], [sflag:s4] =	dma.local [hbm:s3], $0xF7A  }
0x26: {  	[smem:$0x3F8D] =	sst s1;
	(tag) =	ssettag s2;
	_ =	strace s9  }
0x27: {  	s1 =	sld [smem:$0x3F9D]  }
0x28: {  	s2 =	sld [smem:$0x3F9E]  }
0x29: {  	s4 =	sld [smem:$0x3FA0]  }
0x2a: {  	p0 =	seq.s32 s5, $0x0;
	s5 =	sld [smem:$0x3FA1]  }
0x2b: {  	s6 =	sld [smem:$0x3FA2]  }
0x2c: {  	s7 =	sld [smem:$0x3FA3]  }
0x2d: {  	s3 =	simm.s32 $0x108;
	s8 =	sld [smem:$0x3FA4]  }
0x2e: {  	s3 =	simm.s32 @!p0 $0x1082;
	s9 =	sld [smem:$0x3FA5]  }
0x2f: {  	lr =	sadd.s32 s0, s3;
	s0 =	sld [smem:$0x3F9C]  }
0x30: {  	s3 =	sld [smem:$0x3F9F]  }
0x31: {  	[smem:$0x3FA8] =	sst s10  }
0x32: {  	s10 =	sld [smem:$0x3FA6];
	_ =	sdelay $0x3  }
0x33: {  	p0 =	seq.s32 s10, $0x1;
	s10 =	sld [smem:$0x3FA8];
	_ =	sdelay $0x3  }
0x34: {  	[smem:$0x3FA8] =	sst s10  }
0x35: {  	s10 =	sld [smem:$0x3FA7];
	_ =	sdelay $0x3  }
0x36: {  	p1 =	seq.s32 s10, $0x1;
	s10 =	sld [smem:$0x3FA8];
	_ =	sdelay $0x3  }
0x37: {  	[smem:$0x3FA8] =	sst s10  }
0x38: {  	s10 =	sld [smem:$0x3FA9]  }
0x39: {  	_ = 	snop;
	(pc) =	sbr.ind lr, $3  }
0x3a: {  	_ = 	snop  }
0x3b: {  	_ = 	snop  }
0x3c: {  	p2 =	seq.s32 s10, $0x1;
	s10 =	sld [smem:$0x3FA8]  }
0x3d: {  	_ =	shalt  }
0x3e: {  	_ =	shalt  }
0x3f: {  	_ =	shalt  }
0x40: {  	_ =	shalt  }
0x41: {  	_ =	shalt  }
0x42: {  	_ =	shalt  }
0x43: {  	_ =	shalt  }
0x44: {  	_ =	shalt  }
0x45: {  	_ =	shalt  }
0x46: {  	_ =	shalt  }
0x47: {  	_ =	shalt  }
0x48: {  	_ =	shalt  }
0x49: {  	_ =	shalt  }
0x4a: {  	_ =	shalt  }
0x4b: {  	_ =	shalt  }
0x4c: {  	_ =	shalt  }
0x4d: {  	_ =	shalt  }
0x4e: {  	_ =	shalt  }
0x4f: {  	_ =	shalt  }
0x50: {  	_ =	shalt  }
0x51: {  	_ =	shalt  }
0x52: {  	_ =	shalt  }
0x53: {  	_ =	shalt  }
0x54: {  	_ =	shalt  }
0x55: {  	_ =	shalt  }
0x56: {  	_ =	shalt  }
0x57: {  	_ =	shalt  }
0x58: {  	_ =	shalt  }
0x59: {  	_ =	shalt  }
0x5a: {  	_ =	shalt  }
0x5b: {  	_ =	shalt  }
0x5c: {  	_ =	shalt  }
0x5d: {  	_ =	shalt  }
0x5e: {  	_ =	shalt  }
0x5f: {  	_ =	shalt  }
0x60: {  	_ =	shalt  }
0x61: {  	_ =	shalt  }
0x62: {  	_ =	shalt  }
0x63: {  	_ =	shalt  }
0x64: {  	_ =	shalt  }
0x65: {  	_ =	shalt  }
0x66: {  	_ =	shalt  }
0x67: {  	_ =	shalt  }
0x68: {  	_ =	shalt  }
0x69: {  	_ =	shalt  }
0x6a: {  	_ =	shalt  }
0x6b: {  	_ =	shalt  }
0x6c: {  	_ =	shalt  }
0x6d: {  	_ =	shalt  }
0x6e: {  	_ =	shalt  }
0x6f: {  	_ =	shalt  }
0x70: {  	_ =	shalt  }
0x71: {  	_ =	shalt  }
0x72: {  	_ =	shalt  }
0x73: {  	_ =	shalt  }
0x74: {  	_ =	shalt  }
0x75: {  	_ =	shalt  }
0x76: {  	_ =	shalt  }
0x77: {  	_ =	shalt  }
0x78: {  	_ =	shalt  }
0x79: {  	_ =	shalt  }
0x7a: {  	_ =	shalt  }
0x7b: {  	_ =	shalt  }
0x7c: {  	_ =	shalt  }
0x7d: {  	_ =	shalt  }
0x7e: {  	_ =	shalt  }
0x7f: {  	_ =	shalt  }
0x80: {  	_ =	shalt  }
0x81: {  	_ =	shalt  }
0x82: {  	_ =	shalt  }
0x83: {  	_ =	shalt  }
0x84: {  	_ =	shalt  }
0x85: {  	_ =	shalt  }
0x86: {  	_ =	shalt  }
0x87: {  	_ =	shalt  }
.Lfunc_end0:
.L_simem_size_0:
called_computation_lowered:
.L_overlay_start_0:
0x88: {  	s2 =	sld [smem:$0x3FD9]  }
0x89: {  	s3 =	sld [smem:$0x3FFE];
	_ =	sdelay $0x1  }
0x8a: {  	s1 =	srdreg.scid  }
0x8b: {  	s0 =	sand.u32 $0x1, s1  }
0x8c: {  	s16 =	sshll.u32 s0, $0xA;
	s2 =	sadd.s32 s3, s2  }
0x8d: {  	s2 =	sadd.s32 s2, s16  }
0x8e: {  	[smem:$0x3FB4] =	sst s2  }
0x8f: {  	_ = 	snop  }
0x90: {  	(tm) =	ssettm $0x1  }
0x91: {  	s17 =	sld [smem:$0x3FFB];
	_ =	sdelay $0x3  }
0x92: {  	_ =	strace s17  }
0x93: {  	s2 =	sld [smem:$0x3FFC];
	_ =	sdelay $0x3  }
0x94: {  	_ =	strace s2  }
0x95: {  	s2 =	sld [smem:$0x3FFD];
	_ =	sdelay $0x3  }
0x96: {  	_ =	strace s2  }
0x97: {  	_ =	strace $0x8FFFFFFF  }
0x98: {  	s18 =	sld [smem:$0x3FDB];
	_ =	sdelay $0x1  }
0x99: {  	s19 =	simm.s32 $_scs_section_size  }
0x9a: {  	s4 =	simm.s32 $_size__tile_overlayer_lowered;
	s5 =	simm.s32 $_tile_overlayer_lowered  }
0x9b: {  	s22 =	simm.s32 $0x1BFF;
	s21 =	sshll.u32 s5, $0x1;
	s2 =	sadd.s32 s19, s18  }
0x9c: {  	s6 =	simm.s32 $0x0;
	s20 =	sshll.u32 s4, $0x1;
	s4 =	sadd.s32 s21, s2  }
0x9d: {  	[timem:s6], [sflag:s22] =	dma.local [hbm:s4], s20  }
0x9e: {  	_ =	swait.ge [sflag:s22], s20  }
0x9f: {  	s3 =	ssub.s32 $0x0, s20;
	[sflag:s22] =	ssyncset.done $0x0  }
0xa0: {  	[sflag:s22] =	ssyncadd.s32 s3;
	_ =	sdelay $0x1  }
0xa1: {  	s23 =	simm.s32 $0x1B8B  }
0xa2: {  	_ =	swait.ge [sflag:s23], $0x1  }
0xa3: {  	[sflag:s23] =	ssyncset.done $0x0  }
0xa4: {  	s25 =	simm.s32 $0x1B8E;
	s24 =	sld [smem:$0x3FFE];
	[sflag:s23] =	ssyncadd.s32 $0xFFFFFFFF  }
0xa5: {  	s26 =	simm.s32 $execute0_lowered;
	[smem:$0x3FD2] =	sst s25  }
0xa6: {  	s4 =	sshll.u32 s26, $0x1;
	_ =	strace $0x80000046;
	[dreg:$0x1] =	wrdreg $0xFFFFFFFF  }
0xa7: {  	s28 =	simm.s32 $_size_execute0_lowered;
	s2 =	sadd.s32 s2, s4;
	[dreg:$0x0] =	wrdreg $0x0  }
0xa8: {  	s4 =	sshll.u32 s28, $0x1;
	[dreg:$0x2] =	wrdreg s2  }
0xa9: {  	[dreg:$0x3] =	wrdreg s4  }
0xaa: {  	[dreg:$0x4] =	wrdreg $0xC0  }
0xab: {  	_ =	task [dreg:s6], $0x5FFFF  }
0xac: {  	[dreg:$0x1] =	wrdreg $0xFFFFFFFF  }
0xad: {  	[dreg:$0x0] =	wrdreg $0x60  }
0xae: {  	[dreg:$0x2] =	wrdreg s24  }
0xaf: {  	[dreg:$0x3] =	wrdreg $0x9  }
0xb0: {  	_ =	task.clear_ibuf [dreg:s6], $0x4FFFF;
	_ =	strace $0x90000046  }
0xb1: {  	s29 =	simm.s32 $0x9;
	_ =	strace $0x80000048  }
0xb2: {  	_ =	swait.ge [sflag:s29], $0x1  }
0xb3: {  	[sflag:s29] =	ssyncadd.s32 $0xFFFFFFFF  }
0xb4: {  	_ =	strace $0x90000048  }
0xb5: {  	_ =	sfence  }
0xb6: {  	s30 =	sld [smem:$0x0];
	_ =	sdelay $0x2  }
0xb7: {  	s31 =	sshll.u32 s1, $0xD;
	s1 =	sshrl.u32 s1, $0x2  }
0xb8: {  	s3 =	sand.u32 $0x4000, s31;
	s1 =	sadd.s32 s1, s30  }
0xb9: {  	s0 =	sor.u32 s3, s0;
	s1 =	sshll.u32 s1, $0x11  }
0xba: {  	s0 =	sor.u32 s1, s0  }
0xbb: {  	s0 =	sadd.s32 $0x8F2B, s0  }
0xbc: {  	[sflag:s0] =	ssyncadd.remote.s32 $0x1  }
0xbd: {  	_ =	sfence.sel $0xFFFF  }
0xbe: {  	[dreg:$0x0] =	wrdreg $0xFFFFFFFF;
	(pc) =	sbr.abs _section_cstart, $3  }
0xbf: {  	[dreg:$0x1] =	wrdreg $0xFFFFFFFF  }
0xc0: {  	_ =	task.clear_ibuf [dreg:s6], $0x2FFFF;
	_ =	strace $0x9FFFFFFF  }
0xc1: {  	(tm) =	ssettm $0x7FFFFFFF  }
tec
execute0_lowered:
.L_overlay_start_1:
0x0: {  	(tag) =	ssettag $0x1  }
0x1: {  	s0 =	srdreg.scid;
	s4 =	rddreg [dreg:$0x0];
	s2 =	simm.s32 $0x0  }
0x2: {  	s3 =	sand.u32 $0x1, s0;
	s0 =	stileid.u32;
	[smem:$0x7FF] =	sst s2  }
0x3: {  	s1 =	sshll.u32 s3, $0x4;
	s6 =	ssub.s32 $0x2, s3;
	s7 =	smul.u32 $0x50000, s3  }
0x4: {  	s9 =	smul.u32 $0x5000, s0;
	s3 =	sadd.s32 $0x2800, s4;
	s5 =	sor.u32 s0, s1  }
0x5: {  	s1 =	rddreg [dreg:$0x1];
	s8 =	sshrl.u32 s6, $0x1;
	s5 =	smul.u32 $0x500, s5  }
0x6: {  	_ =	strace $0x80000047;
	s6 =	ssub.s32 s6, s8;
	s8 =	simm.s32 $0x800  }
0x7: {  	s6 =	smax.u32 s6, $0x1;
	s5 =	sadd.s32 s5, s4;
	s4 =	sadd.s32 s9, s7  }
0x8: {  	v0 =	vimm.f32 $0.0e+00;
	v1 =	vimm.f32 $1.000000000e+00;
	s7 =	simm.s32 $0x1;
	s9 =	simm.s32 $0x0;
	s5 =	sadd.s32 $0x2A800, s5  }
.LBB2_1:
0x9: {  	s10 =	simm.s32 $0x40;
	s11 =	simm.s32 $0x0  }
.LBB2_2:
0xa: {  	p0 =	sne.s32 s10, $0x9FC0;
	[tilespmem:s11+$0x800] =	vst v0;
	s11 =	smov.u32 s10;
	s10 =	sadd.s32 $0x40, s10  }
.Ltmp0:
0xb: {  	(pc) =	sbr.rel @p0 .LBB2_2-.Ltmp0, $2  }
0xc: {  	_ =	sdelay $0x2  }
0xd: {  	s11 =	sshra.s32 s11, $0x2  }
0xe: {  	[tilespmem:s11+$0x800] =	vst v0;
	s10 =	simm.s32 $0x0;
	s11 =	simm.s32 $0x0  }
.LBB2_4:
0xf: {  	s12 =	sshll.u32 s11, $0xB  }
0x10: {  	s12 =	sadd.s32 s12, s4  }
0x11: {  	s12 =	sshrl.u32 s12, $0x3  }
0x12: {  	s12 =	sadd.s32 s3, s12  }
0x13: {  	[tilespmem:s10], [sflag:$0x1] =	stream.linear.gather [hbm4b:s12+s10], $0x800, $0x38;
	[tilespmem:$0x3000] =	vst v63  }
0x14: {  	_ =	swait.ge [sflag:s7], $0x800  }
0x15: {  	[sflag:s7] =	ssyncset.done $0x0  }
0x16: {  	s13 =	simm.s32 $0x0;
	s12 =	simm.s32 $0x40;
	[sflag:s7] =	ssyncadd.s32 $0xFFFFF800  }
.LBB2_5:
0x17: {  	p0 =	sne.s32 s12, $0x1FC0;
	v2 =	vld [tilespmem:s13+$0x0];
	_ =	sdelay $0x3  }
.Ltmp1:
0x18: {  	(pc) =	sbr.rel @p0 .LBB2_5-.Ltmp1, $2  }
0x19: {  	_ =	sdelay $0x2  }
0x1a: {  	s13 =	sshra.s32 s12, $0x2;
	s12 =	sadd.s32 $0x40, s12;
	[tilespmem:v2+s8+$0x0] =	vst.idx.add.f32.msk $0xffff, v1  }
0x1b: {  	v2 =	vld [tilespmem:s13+$0x0];
	_ =	sdelay $0x1  }
0x1c: {  	s11 =	sadd.s32 $0x1, s11  }
0x1d: {  	p0 =	sne.s32 s11, $0xA  }
.Ltmp2:
0x1e: {  	_ = 	snop;
	(pc) =	sbr.rel @p0 .LBB2_4-.Ltmp2, $2  }
0x1f: {  	_ =	sdelay $0x2  }
0x20: {  	[tilespmem:v2+s8+$0x0] =	vst.idx.add.f32.msk $0xffff, v1  }
0x21: {  	s9 =	sadd.s32 $0x1, s9  }
0x22: {  	p0 =	sne.s32 s9, s6  }
.Ltmp3:
0x23: {  	_ = 	snop;
	(pc) =	sbr.rel @p0 .LBB2_1-.Ltmp3, $4  }
0x24: {  	[hbm4b:s5+s2] =	stream.linear.scatter [tilespmem:s8], [sflag:$0x1], $0x2800, $0x38;
	[tilespmem:$0x3000] =	vst v63  }
0x25: {  	_ =	swait.ge [sflag:s7], $0x2800  }
0x26: {  	[sflag:s7] =	ssyncset.done $0x0  }
0x27: {  	[sflag:s7] =	ssyncadd.s32 $0xFFFFD800  }
0x28: {  	_ =	sfence.sel $0x180000  }
0x29: {  	[bflag:$0x0] =	sbarrier.arrive $0xFFFF  }
0x2a: {  	p0 =	sne.s32 s0, $0x0;
	_ =	strace $0x90000047  }
0x2b: {  	s0 =	sadd.s32 @!p0 $0x100000, s1;
	[bflag:$0x2] =	sbarrier.arrive $0xFFFF  }
0x2c: {  	[sflag:s0] =	ssyncadd.tile.s32 @!p0 $0x1;
	_ =	shalt  }
.Lfunc_end2:
_tile_overlayer_lowered:
.L_overlay_start_2:
0x2d: {  	(tag) =	ssettag $0x2  }
0x2e: {  	s0 =	rddreg [dreg:$0x0];
	s2 =	stileid.u32  }
0x2f: {  	s1 =	rddreg [dreg:$0x1];
	p0 =	sne.s32 s2, $0x0  }
0x30: {  	s3 =	rddreg [dreg:$0x2];
	[bflag:$0x3] =	sbarrier.arrive $0xFFFF;
	s2 =	simm.s32 @!p0 $0x1C01  }
0x31: {  	[timem:s3], [sflag:s2] =	dma.local @!p0 [hbm:s0], s1  }
0x32: {  	s0 =	simm.s32 @!p0 $0x1  }
0x33: {  	_ =	swait.ge @!p0 [sflag:s0], s1  }
0x34: {  	s1 =	ssub.s32 @!p0 $0x0, s1;
	[sflag:s0] =	ssyncset.done @!p0 $0x0  }
0x35: {  	[sflag:s0] =	ssyncadd.s32 @!p0 s1  }
0x36: {  	[bflag:$0x3] =	sbarrier.arrive $0xFFFF  }
0x37: {  	_ =	shalt  }

</sc_bundles>
